<compile_context>
chip_gen: v7x
topology: tpu7x:2x2x1
jax: 0.10.2.dev20260603
libtpu: 0.0.44.dev20260713+nightly
codegen_flags: <defaults>
</compile_context>

<pallas_src>
import functools

import jax
import jax.numpy as jnp
from jax import lax
from jax.experimental import pallas as pl
from jax.experimental.pallas import tpu as pltpu
from jax.experimental.pallas import tpu_sc as plsc

_VOCAB = 1000
_B = 4096
_H = 20
_NW = 32
_BPW = _B // _NW
_CB = 4
_NCHUNK = _BPW // _CB
_NPAIR = _CB * _H


def _sc_body(x_hbm, out_hbm, xall, buf, sem):
    c = lax.axis_index("c")
    s = lax.axis_index("s")
    wid = s * 2 + c
    base_b = wid * _BPW

    pltpu.sync_copy(x_hbm.at[pl.ds(base_b * _H, _BPW * _H)], xall)

    zeros16 = jnp.zeros((16,), jnp.float32)
    ones16 = jnp.ones((16,), jnp.float32)
    lane = lax.iota(jnp.int32, 16)

    def zbody(i, carry):
        for b in range(_CB):
            for h in range(_H):
                buf[b, h, pl.ds(i * 16, 16)] = zeros16
        return carry

    lax.fori_loop(0, _VOCAB // 16, zbody, 0)
    for b in range(_CB):
        for h in range(_H):
            buf[b, h, pl.ds(_VOCAB - 16, 16)] = zeros16

    def scatter(chunk, val16):
        p0_base = chunk * _NPAIR
        for g in range(_NPAIR // 16):
            p = lane + g * 16
            xv = xall[pl.ds(p0_base + g * 16, 16)]
            b_local = p // _H
            h = p - b_local * _H
            plsc.store_scatter(buf, [b_local, h, xv], val16)

    def dma(chunk):
        b0 = base_b + chunk * _CB
        return pltpu.make_async_copy(buf, out_hbm.at[pl.ds(b0, _CB)], sem)

    scatter(0, ones16)
    dma(0).start()

    def body(chunk, carry):
        dma(chunk).wait()
        scatter(chunk - 1, zeros16)
        scatter(chunk, ones16)
        dma(chunk).start()
        return carry

    lax.fori_loop(1, _NCHUNK, body, 0)
    dma(0).wait()


@functools.partial(
    pl.kernel,
    mesh=plsc.VectorSubcoreMesh(core_axis_name="c", subcore_axis_name="s"),
    compiler_params=pltpu.CompilerParams(
        needs_layout_passes=False, use_tc_tiling_on_sc=True
    ),
    out_type=jax.ShapeDtypeStruct((_B, _H, _VOCAB), jnp.float32),
    scratch_types=[
        pltpu.VMEM((_BPW * _H,), jnp.int32),
        pltpu.VMEM((_CB, _H, _VOCAB), jnp.float32),
        pltpu.SemaphoreType.DMA,
    ],
)
def _sc_onehot(x_hbm, out_hbm, xall, buf, sem):
    _sc_body(x_hbm, out_hbm, xall, buf, sem)


def kernel(x, W):
    B, H = x.shape
    xf = x.reshape(B * H).astype(jnp.int32)
    return _sc_onehot(xf)

# --- scband reference (transcript-rebuilt; emitter-appended) ---
"""Pipeline reference for scband-identity-encoder-1606317769482 (READ-ONLY COPY).

The authoritative reference and input builder live on the scoring server;
editing this copy changes nothing except your own understanding.
"""

import jax, jax.numpy as jnp
import numpy as np

VOCAB = 1000
BATCH = 4096
HIST = 20

def setup_inputs(seed: int = 0) -> dict:
    key = jax.random.key(seed)
    k_x, = jax.random.split(key, 1)
    x = jax.random.randint(k_x, (BATCH, HIST), 0, VOCAB, dtype=jnp.int64 if jax.config.read('jax_enable_x64') else jnp.int32)
    # Frozen embedding weight: identity matrix, as set in __init__ (unused by forward)
    W = jnp.eye(VOCAB, dtype=jnp.float32)
    return {"x": x, "W": W}

def reference(x, W):
    # forward: torch.nn.functional.one_hot(x, num_classes=vocab_size).float()
    # The embedding weight W is frozen and not used in forward.
    out = jax.nn.one_hot(x, VOCAB, dtype=jnp.float32)
    return out

if __name__ == "__main__":
    import jax
    _d = setup_inputs()
    print(jax.jit(kernel)(*tuple(_d.values())))

</pallas_src>

<mosaic_0001>
#map = affine_map<(d0, d1) -> (0)>
#map1 = affine_map<(d0, d1) -> (0, 0, 0)>
module attributes {stable_mosaic.version = 14 : i64} {
  func.func @_sc_onehot(%arg0: i32, %arg1: i32, %arg2: memref<81920xi32, #tpu.memory_space<hbm>>, %arg3: memref<4096x20x1000xf32, #tpu.memory_space<hbm>>, %arg4: memref<2560xi32, #tpu.memory_space<vmem>>, %arg5: memref<4x20x1000xf32, #tpu.memory_space<vmem>>, %arg6: memref<!tpu.dma_semaphore, #tpu.memory_space<semaphore_mem>>) attributes {dimension_semantics = [#tpu.dimension_semantics<core_parallel>, #tpu.dimension_semantics<subcore_parallel>], iteration_bounds = array<i64: 2, 16>, scalar_prefetch = 0 : i64, scratch_operands = 3 : i64, tpu.core_type = #tpu.core_type<sc_vector_subcore>, window_params = [{transform_indices = #map}, {transform_indices = #map1}]} {
    %mul3A = arith.constant 2 : i32
    %mul3A_0 = arith.muli %arg1, %mul3A : i32
    %add3A = arith.addi %mul3A_0, %arg0 : i32
    %mul3A_1 = arith.constant 128 : i32
    %mul3A_2 = arith.muli %add3A, %mul3A_1 : i32
    %mul3A_3 = arith.constant 20 : i32
    %mul3A_4 = arith.muli %mul3A_2, %mul3A_3 : i32
    "tpu.region"() ({
      %run_scoped3A = tpu.sem_alloc : memref<!tpu.dma_semaphore, #tpu.memory_space<semaphore_mem>>
      %dma_start3A_703 = tpu.memref_slice %arg2[%mul3A_4] : memref<81920xi32, #tpu.memory_space<hbm>> -> memref<2560xi32, #tpu.memory_space<hbm>>
      %dma_start3A_704 = tpu.memref_slice %arg2[%mul3A_4] : memref<81920xi32, #tpu.memory_space<hbm>> -> memref<2560xi32, #tpu.memory_space<hbm>>
      tpu.enqueue_dma source(%dma_start3A_704 : memref<2560xi32, #tpu.memory_space<hbm>>) target(%arg4 : memref<2560xi32, #tpu.memory_space<vmem>>) target_semaphore(%run_scoped3A : memref<!tpu.dma_semaphore, #tpu.memory_space<semaphore_mem>>)
      %dma_wait3A_705 = tpu.memref_slice %arg2[%mul3A_4] : memref<81920xi32, #tpu.memory_space<hbm>> -> memref<2560xi32, #tpu.memory_space<hbm>>
      %dma_wait3A_706 = tpu.memref_slice %arg2[%mul3A_4] : memref<81920xi32, #tpu.memory_space<hbm>> -> memref<2560xi32, #tpu.memory_space<hbm>>
      tpu.wait_dma2 semaphore(%run_scoped3A : memref<!tpu.dma_semaphore, #tpu.memory_space<semaphore_mem>>) src(%dma_wait3A_706 : memref<2560xi32, #tpu.memory_space<hbm>>) dst(%arg4 : memref<2560xi32, #tpu.memory_space<vmem>>)
      tpu.yield
    }) : () -> ()
    %broadcast_in_dim3A = arith.constant 0.000000e+00 : f32
    %broadcast_in_dim3A_5 = vector.broadcast %broadcast_in_dim3A : f32 to vector<16xf32>
    %broadcast_in_dim3A_6 = arith.constant 1.000000e+00 : f32
    %broadcast_in_dim3A_7 = vector.broadcast %broadcast_in_dim3A_6 : f32 to vector<16xf32>
    %iota3A = tpu.iota {dimensions = array<i32: 0>} : vector<16xi32>
    %scan3A = arith.constant 0 : i32
    %scan3A_8 = arith.constant 0 : i32
    %scan3A_9 = arith.constant 62 : i32
    %scan3A_10 = arith.addi %scan3A_8, %scan3A_9 : i32
    %scan3A_11 = arith.constant 1 : i32
    scf.for %scan3A_703 = %scan3A_8 to %scan3A_10 step %scan3A_11  : i32 {
      %mul3A_704 = arith.constant 16 : i32
      %mul3A_705 = arith.muli %scan3A_703, %mul3A_704 : i32
      %swap3A_706 = arith.constant 0 : i32
      %swap3A_707 = arith.constant 0 : i32
      %swap3A_708 = arith.index_cast %swap3A_706 : i32 to index
      %swap3A_709 = arith.index_cast %swap3A_707 : i32 to index
      %swap3A_710 = arith.index_cast %mul3A_705 : i32 to index
      %swap3A_711 = tpu.vector_load %arg5[%swap3A_708, %swap3A_709, %swap3A_710] {strides = array<i32>} : memref<4x20x1000xf32, #tpu.memory_space<vmem>>, vector<16xf32>,
      tpu.vector_store %arg5[%swap3A_708, %swap3A_709, %swap3A_710], %broadcast_in_dim3A_5 {strides = array<i32>} : memref<4x20x1000xf32, #tpu.memory_space<vmem>>, vector<16xf32>,
      %mul3A_712 = arith.constant 16 : i32
      %mul3A_713 = arith.muli %scan3A_703, %mul3A_712 : i32
      %swap3A_714 = arith.constant 0 : i32
      %swap3A_715 = arith.constant 1 : i32
      %swap3A_716 = arith.index_cast %swap3A_714 : i32 to index
      %swap3A_717 = arith.index_cast %swap3A_715 : i32 to index
      %swap3A_718 = arith.index_cast %mul3A_713 : i32 to index
      %swap3A_719 = tpu.vector_load %arg5[%swap3A_716, %swap3A_717, %swap3A_718] {strides = array<i32>} : memref<4x20x1000xf32, #tpu.memory_space<vmem>>, vector<16xf32>,
      tpu.vector_store %arg5[%swap3A_716, %swap3A_717, %swap3A_718], %broadcast_in_dim3A_5 {strides = array<i32>} : memref<4x20x1000xf32, #tpu.memory_space<vmem>>, vector<16xf32>,
      %mul3A_720 = arith.constant 16 : i32
      %mul3A_721 = arith.muli %scan3A_703, %mul3A_720 : i32
      %swap3A_722 = arith.constant 0 : i32
      %swap3A_723 = arith.constant 2 : i32
      %swap3A_724 = arith.index_cast %swap3A_722 : i32 to index
      %swap3A_725 = arith.index_cast %swap3A_723 : i32 to index
      %swap3A_726 = arith.index_cast %mul3A_721 : i32 to index
      %swap3A_727 = tpu.vector_load %arg5[%swap3A_724, %swap3A_725, %swap3A_726] {strides = array<i32>} : memref<4x20x1000xf32, #tpu.memory_space<vmem>>, vector<16xf32>,
      tpu.vector_store %arg5[%swap3A_724, %swap3A_725, %swap3A_726], %broadcast_in_dim3A_5 {strides = array<i32>} : memref<4x20x1000xf32, #tpu.memory_space<vmem>>, vector<16xf32>,
      %mul3A_728 = arith.constant 16 : i32
      %mul3A_729 = arith.muli %scan3A_703, %mul3A_728 : i32
      %swap3A_730 = arith.constant 0 : i32
      %swap3A_731 = arith.constant 3 : i32
      %swap3A_732 = arith.index_cast %swap3A_730 : i32 to index
      %swap3A_733 = arith.index_cast %swap3A_731 : i32 to index
      %swap3A_734 = arith.index_cast %mul3A_729 : i32 to index
      %swap3A_735 = tpu.vector_load %arg5[%swap3A_732, %swap3A_733, %swap3A_734] {strides = array<i32>} : memref<4x20x1000xf32, #tpu.memory_space<vmem>>, vector<16xf32>,
      tpu.vector_store %arg5[%swap3A_732, %swap3A_733, %swap3A_734], %broadcast_in_dim3A_5 {strides = array<i32>} : memref<4x20x1000xf32, #tpu.memory_space<vmem>>, vector<16xf32>,
      %mul3A_736 = arith.constant 16 : i32
      %mul3A_737 = arith.muli %scan3A_703, %mul3A_736 : i32
      %swap3A_738 = arith.constant 0 : i32
      %swap3A_739 = arith.constant 4 : i32
      %swap3A_740 = arith.index_cast %swap3A_738 : i32 to index
      %swap3A_741 = arith.index_cast %swap3A_739 : i32 to index
      %swap3A_742 = arith.index_cast %mul3A_737 : i32 to index
      %swap3A_743 = tpu.vector_load %arg5[%swap3A_740, %swap3A_741, %swap3A_742] {strides = array<i32>} : memref<4x20x1000xf32, #tpu.memory_space<vmem>>, vector<16xf32>,
      tpu.vector_store %arg5[%swap3A_740, %swap3A_741, %swap3A_742], %broadcast_in_dim3A_5 {strides = array<i32>} : memref<4x20x1000xf32, #tpu.memory_space<vmem>>, vector<16xf32>,
      %mul3A_744 = arith.constant 16 : i32
      %mul3A_745 = arith.muli %scan3A_703, %mul3A_744 : i32
      %swap3A_746 = arith.constant 0 : i32
      %swap3A_747 = arith.constant 5 : i32
      %swap3A_748 = arith.index_cast %swap3A_746 : i32 to index
      %swap3A_749 = arith.index_cast %swap3A_747 : i32 to index
      %swap3A_750 = arith.index_cast %mul3A_745 : i32 to index
      %swap3A_751 = tpu.vector_load %arg5[%swap3A_748, %swap3A_749, %swap3A_750] {strides = array<i32>} : memref<4x20x1000xf32, #tpu.memory_space<vmem>>, vector<16xf32>,
      tpu.vector_store %arg5[%swap3A_748, %swap3A_749, %swap3A_750], %broadcast_in_dim3A_5 {strides = array<i32>} : memref<4x20x1000xf32, #tpu.memory_space<vmem>>, vector<16xf32>,
      %mul3A_752 = arith.constant 16 : i32
      %mul3A_753 = arith.muli %scan3A_703, %mul3A_752 : i32
      %swap3A_754 = arith.constant 0 : i32
      %swap3A_755 = arith.constant 6 : i32
      %swap3A_756 = arith.index_cast %swap3A_754 : i32 to index
      %swap3A_757 = arith.index_cast %swap3A_755 : i32 to index
      %swap3A_758 = arith.index_cast %mul3A_753 : i32 to index
      %swap3A_759 = tpu.vector_load %arg5[%swap3A_756, %swap3A_757, %swap3A_758] {strides = array<i32>} : memref<4x20x1000xf32, #tpu.memory_space<vmem>>, vector<16xf32>,
      tpu.vector_store %arg5[%swap3A_756, %swap3A_757, %swap3A_758], %broadcast_in_dim3A_5 {strides = array<i32>} : memref<4x20x1000xf32, #tpu.memory_space<vmem>>, vector<16xf32>,
      %mul3A_760 = arith.constant 16 : i32
      %mul3A_761 = arith.muli %scan3A_703, %mul3A_760 : i32
      %swap3A_762 = arith.constant 0 : i32
      %swap3A_763 = arith.constant 7 : i32
      %swap3A_764 = arith.index_cast %swap3A_762 : i32 to index
      %swap3A_765 = arith.index_cast %swap3A_763 : i32 to index
      %swap3A_766 = arith.index_cast %mul3A_761 : i32 to index
      %swap3A_767 = tpu.vector_load %arg5[%swap3A_764, %swap3A_765, %swap3A_766] {strides = array<i32>} : memref<4x20x1000xf32, #tpu.memory_space<vmem>>, vector<16xf32>,
      tpu.vector_store %arg5[%swap3A_764, %swap3A_765, %swap3A_766], %broadcast_in_dim3A_5 {strides = array<i32>} : memref<4x20x1000xf32, #tpu.memory_space<vmem>>, vector<16xf32>,
      %mul3A_768 = arith.constant 16 : i32
      %mul3A_769 = arith.muli %scan3A_703, %mul3A_768 : i32
      %swap3A_770 = arith.constant 0 : i32
      %swap3A_771 = arith.constant 8 : i32
      %swap3A_772 = arith.index_cast %swap3A_770 : i32 to index
      %swap3A_773 = arith.index_cast %swap3A_771 : i32 to index
      %swap3A_774 = arith.index_cast %mul3A_769 : i32 to index
      %swap3A_775 = tpu.vector_load %arg5[%swap3A_772, %swap3A_773, %swap3A_774] {strides = array<i32>} : memref<4x20x1000xf32, #tpu.memory_space<vmem>>, vector<16xf32>,
      tpu.vector_store %arg5[%swap3A_772, %swap3A_773, %swap3A_774], %broadcast_in_dim3A_5 {strides = array<i32>} : memref<4x20x1000xf32, #tpu.memory_space<vmem>>, vector<16xf32>,
      %mul3A_776 = arith.constant 16 : i32
      %mul3A_777 = arith.muli %scan3A_703, %mul3A_776 : i32
      %swap3A_778 = arith.constant 0 : i32
      %swap3A_779 = arith.constant 9 : i32
      %swap3A_780 = arith.index_cast %swap3A_778 : i32 to index
      %swap3A_781 = arith.index_cast %swap3A_779 : i32 to index
      %swap3A_782 = arith.index_cast %mul3A_777 : i32 to index
      %swap3A_783 = tpu.vector_load %arg5[%swap3A_780, %swap3A_781, %swap3A_782] {strides = array<i32>} : memref<4x20x1000xf32, #tpu.memory_space<vmem>>, vector<16xf32>,
      tpu.vector_store %arg5[%swap3A_780, %swap3A_781, %swap3A_782], %broadcast_in_dim3A_5 {strides = array<i32>} : memref<4x20x1000xf32, #tpu.memory_space<vmem>>, vector<16xf32>,
      %mul3A_784 = arith.constant 16 : i32
      %mul3A_785 = arith.muli %scan3A_703, %mul3A_784 : i32
      %swap3A_786 = arith.constant 0 : i32
      %swap3A_787 = arith.constant 10 : i32
      %swap3A_788 = arith.index_cast %swap3A_786 : i32 to index
      %swap3A_789 = arith.index_cast %swap3A_787 : i32 to index
      %swap3A_790 = arith.index_cast %mul3A_785 : i32 to index
      %swap3A_791 = tpu.vector_load %arg5[%swap3A_788, %swap3A_789, %swap3A_790] {strides = array<i32>} : memref<4x20x1000xf32, #tpu.memory_space<vmem>>, vector<16xf32>,
      tpu.vector_store %arg5[%swap3A_788, %swap3A_789, %swap3A_790], %broadcast_in_dim3A_5 {strides = array<i32>} : memref<4x20x1000xf32, #tpu.memory_space<vmem>>, vector<16xf32>,
      %mul3A_792 = arith.constant 16 : i32
      %mul3A_793 = arith.muli %scan3A_703, %mul3A_792 : i32
      %swap3A_794 = arith.constant 0 : i32
      %swap3A_795 = arith.constant 11 : i32
      %swap3A_796 = arith.index_cast %swap3A_794 : i32 to index
      %swap3A_797 = arith.index_cast %swap3A_795 : i32 to index
      %swap3A_798 = arith.index_cast %mul3A_793 : i32 to index
      %swap3A_799 = tpu.vector_load %arg5[%swap3A_796, %swap3A_797, %swap3A_798] {strides = array<i32>} : memref<4x20x1000xf32, #tpu.memory_space<vmem>>, vector<16xf32>,
      tpu.vector_store %arg5[%swap3A_796, %swap3A_797, %swap3A_798], %broadcast_in_dim3A_5 {strides = array<i32>} : memref<4x20x1000xf32, #tpu.memory_space<vmem>>, vector<16xf32>,
      %mul3A_800 = arith.constant 16 : i32
      %mul3A_801 = arith.muli %scan3A_703, %mul3A_800 : i32
      %swap3A_802 = arith.constant 0 : i32
      %swap3A_803 = arith.constant 12 : i32
      %swap3A_804 = arith.index_cast %swap3A_802 : i32 to index
      %swap3A_805 = arith.index_cast %swap3A_803 : i32 to index
      %swap3A_806 = arith.index_cast %mul3A_801 : i32 to index
      %swap3A_807 = tpu.vector_load %arg5[%swap3A_804, %swap3A_805, %swap3A_806] {strides = array<i32>} : memref<4x20x1000xf32, #tpu.memory_space<vmem>>, vector<16xf32>,
      tpu.vector_store %arg5[%swap3A_804, %swap3A_805, %swap3A_806], %broadcast_in_dim3A_5 {strides = array<i32>} : memref<4x20x1000xf32, #tpu.memory_space<vmem>>, vector<16xf32>,
      %mul3A_808 = arith.constant 16 : i32
      %mul3A_809 = arith.muli %scan3A_703, %mul3A_808 : i32
      %swap3A_810 = arith.constant 0 : i32
      %swap3A_811 = arith.constant 13 : i32
      %swap3A_812 = arith.index_cast %swap3A_810 : i32 to index
      %swap3A_813 = arith.index_cast %swap3A_811 : i32 to index
      %swap3A_814 = arith.index_cast %mul3A_809 : i32 to index
      %swap3A_815 = tpu.vector_load %arg5[%swap3A_812, %swap3A_813, %swap3A_814] {strides = array<i32>} : memref<4x20x1000xf32, #tpu.memory_space<vmem>>, vector<16xf32>,
      tpu.vector_store %arg5[%swap3A_812, %swap3A_813, %swap3A_814], %broadcast_in_dim3A_5 {strides = array<i32>} : memref<4x20x1000xf32, #tpu.memory_space<vmem>>, vector<16xf32>,
      %mul3A_816 = arith.constant 16 : i32
      %mul3A_817 = arith.muli %scan3A_703, %mul3A_816 : i32
      %swap3A_818 = arith.constant 0 : i32
      %swap3A_819 = arith.constant 14 : i32
      %swap3A_820 = arith.index_cast %swap3A_818 : i32 to index
      %swap3A_821 = arith.index_cast %swap3A_819 : i32 to index
      %swap3A_822 = arith.index_cast %mul3A_817 : i32 to index
      %swap3A_823 = tpu.vector_load %arg5[%swap3A_820, %swap3A_821, %swap3A_822] {strides = array<i32>} : memref<4x20x1000xf32, #tpu.memory_space<vmem>>, vector<16xf32>,
      tpu.vector_store %arg5[%swap3A_820, %swap3A_821, %swap3A_822], %broadcast_in_dim3A_5 {strides = array<i32>} : memref<4x20x1000xf32, #tpu.memory_space<vmem>>, vector<16xf32>,
      %mul3A_824 = arith.constant 16 : i32
      %mul3A_825 = arith.muli %scan3A_703, %mul3A_824 : i32
      %swap3A_826 = arith.constant 0 : i32
      %swap3A_827 = arith.constant 15 : i32
      %swap3A_828 = arith.index_cast %swap3A_826 : i32 to index
      %swap3A_829 = arith.index_cast %swap3A_827 : i32 to index
      %swap3A_830 = arith.index_cast %mul3A_825 : i32 to index
      %swap3A_831 = tpu.vector_load %arg5[%swap3A_828, %swap3A_829, %swap3A_830] {strides = array<i32>} : memref<4x20x1000xf32, #tpu.memory_space<vmem>>, vector<16xf32>,
      tpu.vector_store %arg5[%swap3A_828, %swap3A_829, %swap3A_830], %broadcast_in_dim3A_5 {strides = array<i32>} : memref<4x20x1000xf32, #tpu.memory_space<vmem>>, vector<16xf32>,
      %mul3A_832 = arith.constant 16 : i32
      %mul3A_833 = arith.muli %scan3A_703, %mul3A_832 : i32
      %swap3A_834 = arith.constant 0 : i32
      %swap3A_835 = arith.constant 16 : i32
      %swap3A_836 = arith.index_cast %swap3A_834 : i32 to index
      %swap3A_837 = arith.index_cast %swap3A_835 : i32 to index
      %swap3A_838 = arith.index_cast %mul3A_833 : i32 to index
      %swap3A_839 = tpu.vector_load %arg5[%swap3A_836, %swap3A_837, %swap3A_838] {strides = array<i32>} : memref<4x20x1000xf32, #tpu.memory_space<vmem>>, vector<16xf32>,
      tpu.vector_store %arg5[%swap3A_836, %swap3A_837, %swap3A_838], %broadcast_in_dim3A_5 {strides = array<i32>} : memref<4x20x1000xf32, #tpu.memory_space<vmem>>, vector<16xf32>,
      %mul3A_840 = arith.constant 16 : i32
      %mul3A_841 = arith.muli %scan3A_703, %mul3A_840 : i32
      %swap3A_842 = arith.constant 0 : i32
      %swap3A_843 = arith.constant 17 : i32
      %swap3A_844 = arith.index_cast %swap3A_842 : i32 to index
      %swap3A_845 = arith.index_cast %swap3A_843 : i32 to index
      %swap3A_846 = arith.index_cast %mul3A_841 : i32 to index
      %swap3A_847 = tpu.vector_load %arg5[%swap3A_844, %swap3A_845, %swap3A_846] {strides = array<i32>} : memref<4x20x1000xf32, #tpu.memory_space<vmem>>, vector<16xf32>,
      tpu.vector_store %arg5[%swap3A_844, %swap3A_845, %swap3A_846], %broadcast_in_dim3A_5 {strides = array<i32>} : memref<4x20x1000xf32, #tpu.memory_space<vmem>>, vector<16xf32>,
      %mul3A_848 = arith.constant 16 : i32
      %mul3A_849 = arith.muli %scan3A_703, %mul3A_848 : i32
      %swap3A_850 = arith.constant 0 : i32
      %swap3A_851 = arith.constant 18 : i32
      %swap3A_852 = arith.index_cast %swap3A_850 : i32 to index
      %swap3A_853 = arith.index_cast %swap3A_851 : i32 to index
      %swap3A_854 = arith.index_cast %mul3A_849 : i32 to index
      %swap3A_855 = tpu.vector_load %arg5[%swap3A_852, %swap3A_853, %swap3A_854] {strides = array<i32>} : memref<4x20x1000xf32, #tpu.memory_space<vmem>>, vector<16xf32>,
      tpu.vector_store %arg5[%swap3A_852, %swap3A_853, %swap3A_854], %broadcast_in_dim3A_5 {strides = array<i32>} : memref<4x20x1000xf32, #tpu.memory_space<vmem>>, vector<16xf32>,
      %mul3A_856 = arith.constant 16 : i32
      %mul3A_857 = arith.muli %scan3A_703, %mul3A_856 : i32
      %swap3A_858 = arith.constant 0 : i32
      %swap3A_859 = arith.constant 19 : i32
      %swap3A_860 = arith.index_cast %swap3A_858 : i32 to index
      %swap3A_861 = arith.index_cast %swap3A_859 : i32 to index
      %swap3A_862 = arith.index_cast %mul3A_857 : i32 to index
      %swap3A_863 = tpu.vector_load %arg5[%swap3A_860, %swap3A_861, %swap3A_862] {strides = array<i32>} : memref<4x20x1000xf32, #tpu.memory_space<vmem>>, vector<16xf32>,
      tpu.vector_store %arg5[%swap3A_860, %swap3A_861, %swap3A_862], %broadcast_in_dim3A_5 {strides = array<i32>} : memref<4x20x1000xf32, #tpu.memory_space<vmem>>, vector<16xf32>,
      %mul3A_864 = arith.constant 16 : i32
      %mul3A_865 = arith.muli %scan3A_703, %mul3A_864 : i32
      %swap3A_866 = arith.constant 1 : i32
      %swap3A_867 = arith.constant 0 : i32
      %swap3A_868 = arith.index_cast %swap3A_866 : i32 to index
      %swap3A_869 = arith.index_cast %swap3A_867 : i32 to index
      %swap3A_870 = arith.index_cast %mul3A_865 : i32 to index
      %swap3A_871 = tpu.vector_load %arg5[%swap3A_868, %swap3A_869, %swap3A_870] {strides = array<i32>} : memref<4x20x1000xf32, #tpu.memory_space<vmem>>, vector<16xf32>,
      tpu.vector_store %arg5[%swap3A_868, %swap3A_869, %swap3A_870], %broadcast_in_dim3A_5 {strides = array<i32>} : memref<4x20x1000xf32, #tpu.memory_space<vmem>>, vector<16xf32>,
      %mul3A_872 = arith.constant 16 : i32
      %mul3A_873 = arith.muli %scan3A_703, %mul3A_872 : i32
      %swap3A_874 = arith.constant 1 : i32
      %swap3A_875 = arith.constant 1 : i32
      %swap3A_876 = arith.index_cast %swap3A_874 : i32 to index
      %swap3A_877 = arith.index_cast %swap3A_875 : i32 to index
      %swap3A_878 = arith.index_cast %mul3A_873 : i32 to index
      %swap3A_879 = tpu.vector_load %arg5[%swap3A_876, %swap3A_877, %swap3A_878] {strides = array<i32>} : memref<4x20x1000xf32, #tpu.memory_space<vmem>>, vector<16xf32>,
      tpu.vector_store %arg5[%swap3A_876, %swap3A_877, %swap3A_878], %broadcast_in_dim3A_5 {strides = array<i32>} : memref<4x20x1000xf32, #tpu.memory_space<vmem>>, vector<16xf32>,
      %mul3A_880 = arith.constant 16 : i32
      %mul3A_881 = arith.muli %scan3A_703, %mul3A_880 : i32
      %swap3A_882 = arith.constant 1 : i32
      %swap3A_883 = arith.constant 2 : i32
      %swap3A_884 = arith.index_cast %swap3A_882 : i32 to index
      %swap3A_885 = arith.index_cast %swap3A_883 : i32 to index
      %swap3A_886 = arith.index_cast %mul3A_881 : i32 to index
      %swap3A_887 = tpu.vector_load %arg5[%swap3A_884, %swap3A_885, %swap3A_886] {strides = array<i32>} : memref<4x20x1000xf32, #tpu.memory_space<vmem>>, vector<16xf32>,
      tpu.vector_store %arg5[%swap3A_884, %swap3A_885, %swap3A_886], %broadcast_in_dim3A_5 {strides = array<i32>} : memref<4x20x1000xf32, #tpu.memory_space<vmem>>, vector<16xf32>,
      %mul3A_888 = arith.constant 16 : i32
      %mul3A_889 = arith.muli %scan3A_703, %mul3A_888 : i32
      %swap3A_890 = arith.constant 1 : i32
      %swap3A_891 = arith.constant 3 : i32
      %swap3A_892 = arith.index_cast %swap3A_890 : i32 to index
      %swap3A_893 = arith.index_cast %swap3A_891 : i32 to index
      %swap3A_894 = arith.index_cast %mul3A_889 : i32 to index
      %swap3A_895 = tpu.vector_load %arg5[%swap3A_892, %swap3A_893, %swap3A_894] {strides = array<i32>} : memref<4x20x1000xf32, #tpu.memory_space<vmem>>, vector<16xf32>,
      tpu.vector_store %arg5[%swap3A_892, %swap3A_893, %swap3A_894], %broadcast_in_dim3A_5 {strides = array<i32>} : memref<4x20x1000xf32, #tpu.memory_space<vmem>>, vector<16xf32>,
      %mul3A_896 = arith.constant 16 : i32
      %mul3A_897 = arith.muli %scan3A_703, %mul3A_896 : i32
      %swap3A_898 = arith.constant 1 : i32
      %swap3A_899 = arith.constant 4 : i32
      %swap3A_900 = arith.index_cast %swap3A_898 : i32 to index
      %swap3A_901 = arith.index_cast %swap3A_899 : i32 to index
      %swap3A_902 = arith.index_cast %mul3A_897 : i32 to index
      %swap3A_903 = tpu.vector_load %arg5[%swap3A_900, %swap3A_901, %swap3A_902] {strides = array<i32>} : memref<4x20x1000xf32, #tpu.memory_space<vmem>>, vector<16xf32>,
      tpu.vector_store %arg5[%swap3A_900, %swap3A_901, %swap3A_902], %broadcast_in_dim3A_5 {strides = array<i32>} : memref<4x20x1000xf32, #tpu.memory_space<vmem>>, vector<16xf32>,
      %mul3A_904 = arith.constant 16 : i32
      %mul3A_905 = arith.muli %scan3A_703, %mul3A_904 : i32
      %swap3A_906 = arith.constant 1 : i32
      %swap3A_907 = arith.constant 5 : i32
      %swap3A_908 = arith.index_cast %swap3A_906 : i32 to index
      %swap3A_909 = arith.index_cast %swap3A_907 : i32 to index
      %swap3A_910 = arith.index_cast %mul3A_905 : i32 to index
      %swap3A_911 = tpu.vector_load %arg5[%swap3A_908, %swap3A_909, %swap3A_910] {strides = array<i32>} : memref<4x20x1000xf32, #tpu.memory_space<vmem>>, vector<16xf32>,
      tpu.vector_store %arg5[%swap3A_908, %swap3A_909, %swap3A_910], %broadcast_in_dim3A_5 {strides = array<i32>} : memref<4x20x1000xf32, #tpu.memory_space<vmem>>, vector<16xf32>,
      %mul3A_912 = arith.constant 16 : i32
      %mul3A_913 = arith.muli %scan3A_703, %mul3A_912 : i32
      %swap3A_914 = arith.constant 1 : i32
      %swap3A_915 = arith.constant 6 : i32
      %swap3A_916 = arith.index_cast %swap3A_914 : i32 to index
      %swap3A_917 = arith.index_cast %swap3A_915 : i32 to index
      %swap3A_918 = arith.index_cast %mul3A_913 : i32 to index
      %swap3A_919 = tpu.vector_load %arg5[%swap3A_916, %swap3A_917, %swap3A_918] {strides = array<i32>} : memref<4x20x1000xf32, #tpu.memory_space<vmem>>, vector<16xf32>,
      tpu.vector_store %arg5[%swap3A_916, %swap3A_917, %swap3A_918], %broadcast_in_dim3A_5 {strides = array<i32>} : memref<4x20x1000xf32, #tpu.memory_space<vmem>>, vector<16xf32>,
      %mul3A_920 = arith.constant 16 : i32
      %mul3A_921 = arith.muli %scan3A_703, %mul3A_920 : i32
      %swap3A_922 = arith.constant 1 : i32
      %swap3A_923 = arith.constant 7 : i32
      %swap3A_924 = arith.index_cast %swap3A_922 : i32 to index
      %swap3A_925 = arith.index_cast %swap3A_923 : i32 to index
      %swap3A_926 = arith.index_cast %mul3A_921 : i32 to index
      %swap3A_927 = tpu.vector_load %arg5[%swap3A_924, %swap3A_925, %swap3A_926] {strides = array<i32>} : memref<4x20x1000xf32, #tpu.memory_space<vmem>>, vector<16xf32>,
      tpu.vector_store %arg5[%swap3A_924, %swap3A_925, %swap3A_926], %broadcast_in_dim3A_5 {strides = array<i32>} : memref<4x20x1000xf32, #tpu.memory_space<vmem>>, vector<16xf32>,
      %mul3A_928 = arith.constant 16 : i32
      %mul3A_929 = arith.muli %scan3A_703, %mul3A_928 : i32
      %swap3A_930 = arith.constant 1 : i32
      %swap3A_931 = arith.constant 8 : i32
      %swap3A_932 = arith.index_cast %swap3A_930 : i32 to index
      %swap3A_933 = arith.index_cast %swap3A_931 : i32 to index
      %swap3A_934 = arith.index_cast %mul3A_929 : i32 to index
      %swap3A_935 = tpu.vector_load %arg5[%swap3A_932, %swap3A_933, %swap3A_934] {strides = array<i32>} : memref<4x20x1000xf32, #tpu.memory_space<vmem>>, vector<16xf32>,
      tpu.vector_store %arg5[%swap3A_932, %swap3A_933, %swap3A_934], %broadcast_in_dim3A_5 {strides = array<i32>} : memref<4x20x1000xf32, #tpu.memory_space<vmem>>, vector<16xf32>,
      %mul3A_936 = arith.constant 16 : i32
      %mul3A_937 = arith.muli %scan3A_703, %mul3A_936 : i32
      %swap3A_938 = arith.constant 1 : i32
      %swap3A_939 = arith.constant 9 : i32
      %swap3A_940 = arith.index_cast %swap3A_938 : i32 to index
      %swap3A_941 = arith.index_cast %swap3A_939 : i32 to index
      %swap3A_942 = arith.index_cast %mul3A_937 : i32 to index
      %swap3A_943 = tpu.vector_load %arg5[%swap3A_940, %swap3A_941, %swap3A_942] {strides = array<i32>} : memref<4x20x1000xf32, #tpu.memory_space<vmem>>, vector<16xf32>,
      tpu.vector_store %arg5[%swap3A_940, %swap3A_941, %swap3A_942], %broadcast_in_dim3A_5 {strides = array<i32>} : memref<4x20x1000xf32, #tpu.memory_space<vmem>>, vector<16xf32>,
      %mul3A_944 = arith.constant 16 : i32
      %mul3A_945 = arith.muli %scan3A_703, %mul3A_944 : i32
      %swap3A_946 = arith.constant 1 : i32
      %swap3A_947 = arith.constant 10 : i32
      %swap3A_948 = arith.index_cast %swap3A_946 : i32 to index
      %swap3A_949 = arith.index_cast %swap3A_947 : i32 to index
      %swap3A_950 = arith.index_cast %mul3A_945 : i32 to index
      %swap3A_951 = tpu.vector_load %arg5[%swap3A_948, %swap3A_949, %swap3A_950] {strides = array<i32>} : memref<4x20x1000xf32, #tpu.memory_space<vmem>>, vector<16xf32>,
      tpu.vector_store %arg5[%swap3A_948, %swap3A_949, %swap3A_950], %broadcast_in_dim3A_5 {strides = array<i32>} : memref<4x20x1000xf32, #tpu.memory_space<vmem>>, vector<16xf32>,
      %mul3A_952 = arith.constant 16 : i32
      %mul3A_953 = arith.muli %scan3A_703, %mul3A_952 : i32
      %swap3A_954 = arith.constant 1 : i32
      %swap3A_955 = arith.constant 11 : i32
      %swap3A_956 = arith.index_cast %swap3A_954 : i32 to index
      %swap3A_957 = arith.index_cast %swap3A_955 : i32 to index
      %swap3A_958 = arith.index_cast %mul3A_953 : i32 to index
      %swap3A_959 = tpu.vector_load %arg5[%swap3A_956, %swap3A_957, %swap3A_958] {strides = array<i32>} : memref<4x20x1000xf32, #tpu.memory_space<vmem>>, vector<16xf32>,
      tpu.vector_store %arg5[%swap3A_956, %swap3A_957, %swap3A_958], %broadcast_in_dim3A_5 {strides = array<i32>} : memref<4x20x1000xf32, #tpu.memory_space<vmem>>, vector<16xf32>,
      %mul3A_960 = arith.constant 16 : i32
      %mul3A_961 = arith.muli %scan3A_703, %mul3A_960 : i32
      %swap3A_962 = arith.constant 1 : i32
      %swap3A_963 = arith.constant 12 : i32
      %swap3A_964 = arith.index_cast %swap3A_962 : i32 to index
      %swap3A_965 = arith.index_cast %swap3A_963 : i32 to index
      %swap3A_966 = arith.index_cast %mul3A_961 : i32 to index
      %swap3A_967 = tpu.vector_load %arg5[%swap3A_964, %swap3A_965, %swap3A_966] {strides = array<i32>} : memref<4x20x1000xf32, #tpu.memory_space<vmem>>, vector<16xf32>,
      tpu.vector_store %arg5[%swap3A_964, %swap3A_965, %swap3A_966], %broadcast_in_dim3A_5 {strides = array<i32>} : memref<4x20x1000xf32, #tpu.memory_space<vmem>>, vector<16xf32>,
      %mul3A_968 = arith.constant 16 : i32
      %mul3A_969 = arith.muli %scan3A_703, %mul3A_968 : i32
      %swap3A_970 = arith.constant 1 : i32
      %swap3A_971 = arith.constant 13 : i32
      %swap3A_972 = arith.index_cast %swap3A_970 : i32 to index
      %swap3A_973 = arith.index_cast %swap3A_971 : i32 to index
      %swap3A_974 = arith.index_cast %mul3A_969 : i32 to index
      %swap3A_975 = tpu.vector_load %arg5[%swap3A_972, %swap3A_973, %swap3A_974] {strides = array<i32>} : memref<4x20x1000xf32, #tpu.memory_space<vmem>>, vector<16xf32>,
      tpu.vector_store %arg5[%swap3A_972, %swap3A_973, %swap3A_974], %broadcast_in_dim3A_5 {strides = array<i32>} : memref<4x20x1000xf32, #tpu.memory_space<vmem>>, vector<16xf32>,
      %mul3A_976 = arith.constant 16 : i32
      %mul3A_977 = arith.muli %scan3A_703, %mul3A_976 : i32
      %swap3A_978 = arith.constant 1 : i32
      %swap3A_979 = arith.constant 14 : i32
      %swap3A_980 = arith.index_cast %swap3A_978 : i32 to index
      %swap3A_981 = arith.index_cast %swap3A_979 : i32 to index
      %swap3A_982 = arith.index_cast %mul3A_977 : i32 to index
      %swap3A_983 = tpu.vector_load %arg5[%swap3A_980, %swap3A_981, %swap3A_982] {strides = array<i32>} : memref<4x20x1000xf32, #tpu.memory_space<vmem>>, vector<16xf32>,
      tpu.vector_store %arg5[%swap3A_980, %swap3A_981, %swap3A_982], %broadcast_in_dim3A_5 {strides = array<i32>} : memref<4x20x1000xf32, #tpu.memory_space<vmem>>, vector<16xf32>,
      %mul3A_984 = arith.constant 16 : i32
      %mul3A_985 = arith.muli %scan3A_703, %mul3A_984 : i32
      %swap3A_986 = arith.constant 1 : i32
      %swap3A_987 = arith.constant 15 : i32
      %swap3A_988 = arith.index_cast %swap3A_986 : i32 to index
      %swap3A_989 = arith.index_cast %swap3A_987 : i32 to index
      %swap3A_990 = arith.index_cast %mul3A_985 : i32 to index
      %swap3A_991 = tpu.vector_load %arg5[%swap3A_988, %swap3A_989, %swap3A_990] {strides = array<i32>} : memref<4x20x1000xf32, #tpu.memory_space<vmem>>, vector<16xf32>,
      tpu.vector_store %arg5[%swap3A_988, %swap3A_989, %swap3A_990], %broadcast_in_dim3A_5 {strides = array<i32>} : memref<4x20x1000xf32, #tpu.memory_space<vmem>>, vector<16xf32>,
      %mul3A_992 = arith.constant 16 : i32
      %mul3A_993 = arith.muli %scan3A_703, %mul3A_992 : i32
      %swap3A_994 = arith.constant 1 : i32
      %swap3A_995 = arith.constant 16 : i32
      %swap3A_996 = arith.index_cast %swap3A_994 : i32 to index
      %swap3A_997 = arith.index_cast %swap3A_995 : i32 to index
      %swap3A_998 = arith.index_cast %mul3A_993 : i32 to index
      %swap3A_999 = tpu.vector_load %arg5[%swap3A_996, %swap3A_997, %swap3A_998] {strides = array<i32>} : memref<4x20x1000xf32, #tpu.memory_space<vmem>>, vector<16xf32>,
      tpu.vector_store %arg5[%swap3A_996, %swap3A_997, %swap3A_998], %broadcast_in_dim3A_5 {strides = array<i32>} : memref<4x20x1000xf32, #tpu.memory_space<vmem>>, vector<16xf32>,
      %mul3A_1000 = arith.constant 16 : i32
      %mul3A_1001 = arith.muli %scan3A_703, %mul3A_1000 : i32
      %swap3A_1002 = arith.constant 1 : i32
      %swap3A_1003 = arith.constant 17 : i32
      %swap3A_1004 = arith.index_cast %swap3A_1002 : i32 to index
      %swap3A_1005 = arith.index_cast %swap3A_1003 : i32 to index
      %swap3A_1006 = arith.index_cast %mul3A_1001 : i32 to index
      %swap3A_1007 = tpu.vector_load %arg5[%swap3A_1004, %swap3A_1005, %swap3A_1006] {strides = array<i32>} : memref<4x20x1000xf32, #tpu.memory_space<vmem>>, vector<16xf32>,
      tpu.vector_store %arg5[%swap3A_1004, %swap3A_1005, %swap3A_1006], %broadcast_in_dim3A_5 {strides = array<i32>} : memref<4x20x1000xf32, #tpu.memory_space<vmem>>, vector<16xf32>,
      %mul3A_1008 = arith.constant 16 : i32
      %mul3A_1009 = arith.muli %scan3A_703, %mul3A_1008 : i32
      %swap3A_1010 = arith.constant 1 : i32
      %swap3A_1011 = arith.constant 18 : i32
      %swap3A_1012 = arith.index_cast %swap3A_1010 : i32 to index
      %swap3A_1013 = arith.index_cast %swap3A_1011 : i32 to index
      %swap3A_1014 = arith.index_cast %mul3A_1009 : i32 to index
      %swap3A_1015 = tpu.vector_load %arg5[%swap3A_1012, %swap3A_1013, %swap3A_1014] {strides = array<i32>} : memref<4x20x1000xf32, #tpu.memory_space<vmem>>, vector<16xf32>,
      tpu.vector_store %arg5[%swap3A_1012, %swap3A_1013, %swap3A_1014], %broadcast_in_dim3A_5 {strides = array<i32>} : memref<4x20x1000xf32, #tpu.memory_space<vmem>>, vector<16xf32>,
      %mul3A_1016 = arith.constant 16 : i32
      %mul3A_1017 = arith.muli %scan3A_703, %mul3A_1016 : i32
      %swap3A_1018 = arith.constant 1 : i32
      %swap3A_1019 = arith.constant 19 : i32
      %swap3A_1020 = arith.index_cast %swap3A_1018 : i32 to index
      %swap3A_1021 = arith.index_cast %swap3A_1019 : i32 to index
      %swap3A_1022 = arith.index_cast %mul3A_1017 : i32 to index
      %swap3A_1023 = tpu.vector_load %arg5[%swap3A_1020, %swap3A_1021, %swap3A_1022] {strides = array<i32>} : memref<4x20x1000xf32, #tpu.memory_space<vmem>>, vector<16xf32>,
      tpu.vector_store %arg5[%swap3A_1020, %swap3A_1021, %swap3A_1022], %broadcast_in_dim3A_5 {strides = array<i32>} : memref<4x20x1000xf32, #tpu.memory_space<vmem>>, vector<16xf32>,
      %mul3A_1024 = arith.constant 16 : i32
      %mul3A_1025 = arith.muli %scan3A_703, %mul3A_1024 : i32
      %swap3A_1026 = arith.constant 2 : i32
      %swap3A_1027 = arith.constant 0 : i32
      %swap3A_1028 = arith.index_cast %swap3A_1026 : i32 to index
      %swap3A_1029 = arith.index_cast %swap3A_1027 : i32 to index
      %swap3A_1030 = arith.index_cast %mul3A_1025 : i32 to index
      %swap3A_1031 = tpu.vector_load %arg5[%swap3A_1028, %swap3A_1029, %swap3A_1030] {strides = array<i32>} : memref<4x20x1000xf32, #tpu.memory_space<vmem>>, vector<16xf32>,
      tpu.vector_store %arg5[%swap3A_1028, %swap3A_1029, %swap3A_1030], %broadcast_in_dim3A_5 {strides = array<i32>} : memref<4x20x1000xf32, #tpu.memory_space<vmem>>, vector<16xf32>,
      %mul3A_1032 = arith.constant 16 : i32
      %mul3A_1033 = arith.muli %scan3A_703, %mul3A_1032 : i32
      %swap3A_1034 = arith.constant 2 : i32
      %swap3A_1035 = arith.constant 1 : i32
      %swap3A_1036 = arith.index_cast %swap3A_1034 : i32 to index
      %swap3A_1037 = arith.index_cast %swap3A_1035 : i32 to index
      %swap3A_1038 = arith.index_cast %mul3A_1033 : i32 to index
      %swap3A_1039 = tpu.vector_load %arg5[%swap3A_1036, %swap3A_1037, %swap3A_1038] {strides = array<i32>} : memref<4x20x1000xf32, #tpu.memory_space<vmem>>, vector<16xf32>,
      tpu.vector_store %arg5[%swap3A_1036, %swap3A_1037, %swap3A_1038], %broadcast_in_dim3A_5 {strides = array<i32>} : memref<4x20x1000xf32, #tpu.memory_space<vmem>>, vector<16xf32>,
      %mul3A_1040 = arith.constant 16 : i32
      %mul3A_1041 = arith.muli %scan3A_703, %mul3A_1040 : i32
      %swap3A_1042 = arith.constant 2 : i32
      %swap3A_1043 = arith.constant 2 : i32
      %swap3A_1044 = arith.index_cast %swap3A_1042 : i32 to index
      %swap3A_1045 = arith.index_cast %swap3A_1043 : i32 to index
      %swap3A_1046 = arith.index_cast %mul3A_1041 : i32 to index
      %swap3A_1047 = tpu.vector_load %arg5[%swap3A_1044, %swap3A_1045, %swap3A_1046] {strides = array<i32>} : memref<4x20x1000xf32, #tpu.memory_space<vmem>>, vector<16xf32>,
      tpu.vector_store %arg5[%swap3A_1044, %swap3A_1045, %swap3A_1046], %broadcast_in_dim3A_5 {strides = array<i32>} : memref<4x20x1000xf32, #tpu.memory_space<vmem>>, vector<16xf32>,
      %mul3A_1048 = arith.constant 16 : i32
      %mul3A_1049 = arith.muli %scan3A_703, %mul3A_1048 : i32
      %swap3A_1050 = arith.constant 2 : i32
      %swap3A_1051 = arith.constant 3 : i32
      %swap3A_1052 = arith.index_cast %swap3A_1050 : i32 to index
      %swap3A_1053 = arith.index_cast %swap3A_1051 : i32 to index
      %swap3A_1054 = arith.index_cast %mul3A_1049 : i32 to index
      %swap3A_1055 = tpu.vector_load %arg5[%swap3A_1052, %swap3A_1053, %swap3A_1054] {strides = array<i32>} : memref<4x20x1000xf32, #tpu.memory_space<vmem>>, vector<16xf32>,
      tpu.vector_store %arg5[%swap3A_1052, %swap3A_1053, %swap3A_1054], %broadcast_in_dim3A_5 {strides = array<i32>} : memref<4x20x1000xf32, #tpu.memory_space<vmem>>, vector<16xf32>,
      %mul3A_1056 = arith.constant 16 : i32
      %mul3A_1057 = arith.muli %scan3A_703, %mul3A_1056 : i32
      %swap3A_1058 = arith.constant 2 : i32
      %swap3A_1059 = arith.constant 4 : i32
      %swap3A_1060 = arith.index_cast %swap3A_1058 : i32 to index
      %swap3A_1061 = arith.index_cast %swap3A_1059 : i32 to index
      %swap3A_1062 = arith.index_cast %mul3A_1057 : i32 to index
      %swap3A_1063 = tpu.vector_load %arg5[%swap3A_1060, %swap3A_1061, %swap3A_1062] {strides = array<i32>} : memref<4x20x1000xf32, #tpu.memory_space<vmem>>, vector<16xf32>,
      tpu.vector_store %arg5[%swap3A_1060, %swap3A_1061, %swap3A_1062], %broadcast_in_dim3A_5 {strides = array<i32>} : memref<4x20x1000xf32, #tpu.memory_space<vmem>>, vector<16xf32>,
      %mul3A_1064 = arith.constant 16 : i32
      %mul3A_1065 = arith.muli %scan3A_703, %mul3A_1064 : i32
      %swap3A_1066 = arith.constant 2 : i32
      %swap3A_1067 = arith.constant 5 : i32
      %swap3A_1068 = arith.index_cast %swap3A_1066 : i32 to index
      %swap3A_1069 = arith.index_cast %swap3A_1067 : i32 to index
      %swap3A_1070 = arith.index_cast %mul3A_1065 : i32 to index
      %swap3A_1071 = tpu.vector_load %arg5[%swap3A_1068, %swap3A_1069, %swap3A_1070] {strides = array<i32>} : memref<4x20x1000xf32, #tpu.memory_space<vmem>>, vector<16xf32>,
      tpu.vector_store %arg5[%swap3A_1068, %swap3A_1069, %swap3A_1070], %broadcast_in_dim3A_5 {strides = array<i32>} : memref<4x20x1000xf32, #tpu.memory_space<vmem>>, vector<16xf32>,
      %mul3A_1072 = arith.constant 16 : i32
      %mul3A_1073 = arith.muli %scan3A_703, %mul3A_1072 : i32
      %swap3A_1074 = arith.constant 2 : i32
      %swap3A_1075 = arith.constant 6 : i32
      %swap3A_1076 = arith.index_cast %swap3A_1074 : i32 to index
      %swap3A_1077 = arith.index_cast %swap3A_1075 : i32 to index
      %swap3A_1078 = arith.index_cast %mul3A_1073 : i32 to index
      %swap3A_1079 = tpu.vector_load %arg5[%swap3A_1076, %swap3A_1077, %swap3A_1078] {strides = array<i32>} : memref<4x20x1000xf32, #tpu.memory_space<vmem>>, vector<16xf32>,
      tpu.vector_store %arg5[%swap3A_1076, %swap3A_1077, %swap3A_1078], %broadcast_in_dim3A_5 {strides = array<i32>} : memref<4x20x1000xf32, #tpu.memory_space<vmem>>, vector<16xf32>,
      %mul3A_1080 = arith.constant 16 : i32
      %mul3A_1081 = arith.muli %scan3A_703, %mul3A_1080 : i32
      %swap3A_1082 = arith.constant 2 : i32
      %swap3A_1083 = arith.constant 7 : i32
      %swap3A_1084 = arith.index_cast %swap3A_1082 : i32 to index
      %swap3A_1085 = arith.index_cast %swap3A_1083 : i32 to index
      %swap3A_1086 = arith.index_cast %mul3A_1081 : i32 to index
      %swap3A_1087 = tpu.vector_load %arg5[%swap3A_1084, %swap3A_1085, %swap3A_1086] {strides = array<i32>} : memref<4x20x1000xf32, #tpu.memory_space<vmem>>, vector<16xf32>,
      tpu.vector_store %arg5[%swap3A_1084, %swap3A_1085, %swap3A_1086], %broadcast_in_dim3A_5 {strides = array<i32>} : memref<4x20x1000xf32, #tpu.memory_space<vmem>>, vector<16xf32>,
      %mul3A_1088 = arith.constant 16 : i32
      %mul3A_1089 = arith.muli %scan3A_703, %mul3A_1088 : i32
      %swap3A_1090 = arith.constant 2 : i32
      %swap3A_1091 = arith.constant 8 : i32
      %swap3A_1092 = arith.index_cast %swap3A_1090 : i32 to index
      %swap3A_1093 = arith.index_cast %swap3A_1091 : i32 to index
      %swap3A_1094 = arith.index_cast %mul3A_1089 : i32 to index
      %swap3A_1095 = tpu.vector_load %arg5[%swap3A_1092, %swap3A_1093, %swap3A_1094] {strides = array<i32>} : memref<4x20x1000xf32, #tpu.memory_space<vmem>>, vector<16xf32>,
      tpu.vector_store %arg5[%swap3A_1092, %swap3A_1093, %swap3A_1094], %broadcast_in_dim3A_5 {strides = array<i32>} : memref<4x20x1000xf32, #tpu.memory_space<vmem>>, vector<16xf32>,
      %mul3A_1096 = arith.constant 16 : i32
      %mul3A_1097 = arith.muli %scan3A_703, %mul3A_1096 : i32
      %swap3A_1098 = arith.constant 2 : i32
      %swap3A_1099 = arith.constant 9 : i32
      %swap3A_1100 = arith.index_cast %swap3A_1098 : i32 to index
      %swap3A_1101 = arith.index_cast %swap3A_1099 : i32 to index
      %swap3A_1102 = arith.index_cast %mul3A_1097 : i32 to index
      %swap3A_1103 = tpu.vector_load %arg5[%swap3A_1100, %swap3A_1101, %swap3A_1102] {strides = array<i32>} : memref<4x20x1000xf32, #tpu.memory_space<vmem>>, vector<16xf32>,
      tpu.vector_store %arg5[%swap3A_1100, %swap3A_1101, %swap3A_1102], %broadcast_in_dim3A_5 {strides = array<i32>} : memref<4x20x1000xf32, #tpu.memory_space<vmem>>, vector<16xf32>,
      %mul3A_1104 = arith.constant 16 : i32
      %mul3A_1105 = arith.muli %scan3A_703, %mul3A_1104 : i32
      %swap3A_1106 = arith.constant 2 : i32
      %swap3A_1107 = arith.constant 10 : i32
      %swap3A_1108 = arith.index_cast %swap3A_1106 : i32 to index
      %swap3A_1109 = arith.index_cast %swap3A_1107 : i32 to index
      %swap3A_1110 = arith.index_cast %mul3A_1105 : i32 to index
      %swap3A_1111 = tpu.vector_load %arg5[%swap3A_1108, %swap3A_1109, %swap3A_1110] {strides = array<i32>} : memref<4x20x1000xf32, #tpu.memory_space<vmem>>, vector<16xf32>,
      tpu.vector_store %arg5[%swap3A_1108, %swap3A_1109, %swap3A_1110], %broadcast_in_dim3A_5 {strides = array<i32>} : memref<4x20x1000xf32, #tpu.memory_space<vmem>>, vector<16xf32>,
      %mul3A_1112 = arith.constant 16 : i32
      %mul3A_1113 = arith.muli %scan3A_703, %mul3A_1112 : i32
      %swap3A_1114 = arith.constant 2 : i32
      %swap3A_1115 = arith.constant 11 : i32
      %swap3A_1116 = arith.index_cast %swap3A_1114 : i32 to index
      %swap3A_1117 = arith.index_cast %swap3A_1115 : i32 to index
      %swap3A_1118 = arith.index_cast %mul3A_1113 : i32 to index
      %swap3A_1119 = tpu.vector_load %arg5[%swap3A_1116, %swap3A_1117, %swap3A_1118] {strides = array<i32>} : memref<4x20x1000xf32, #tpu.memory_space<vmem>>, vector<16xf32>,
      tpu.vector_store %arg5[%swap3A_1116, %swap3A_1117, %swap3A_1118], %broadcast_in_dim3A_5 {strides = array<i32>} : memref<4x20x1000xf32, #tpu.memory_space<vmem>>, vector<16xf32>,
      %mul3A_1120 = arith.constant 16 : i32
      %mul3A_1121 = arith.muli %scan3A_703, %mul3A_1120 : i32
      %swap3A_1122 = arith.constant 2 : i32
      %swap3A_1123 = arith.constant 12 : i32
      %swap3A_1124 = arith.index_cast %swap3A_1122 : i32 to index
      %swap3A_1125 = arith.index_cast %swap3A_1123 : i32 to index
      %swap3A_1126 = arith.index_cast %mul3A_1121 : i32 to index
      %swap3A_1127 = tpu.vector_load %arg5[%swap3A_1124, %swap3A_1125, %swap3A_1126] {strides = array<i32>} : memref<4x20x1000xf32, #tpu.memory_space<vmem>>, vector<16xf32>,
      tpu.vector_store %arg5[%swap3A_1124, %swap3A_1125, %swap3A_1126], %broadcast_in_dim3A_5 {strides = array<i32>} : memref<4x20x1000xf32, #tpu.memory_space<vmem>>, vector<16xf32>,
      %mul3A_1128 = arith.constant 16 : i32
      %mul3A_1129 = arith.muli %scan3A_703, %mul3A_1128 : i32
      %swap3A_1130 = arith.constant 2 : i32
      %swap3A_1131 = arith.constant 13 : i32
      %swap3A_1132 = arith.index_cast %swap3A_1130 : i32 to index
      %swap3A_1133 = arith.index_cast %swap3A_1131 : i32 to index
      %swap3A_1134 = arith.index_cast %mul3A_1129 : i32 to index
      %swap3A_1135 = tpu.vector_load %arg5[%swap3A_1132, %swap3A_1133, %swap3A_1134] {strides = array<i32>} : memref<4x20x1000xf32, #tpu.memory_space<vmem>>, vector<16xf32>,
      tpu.vector_store %arg5[%swap3A_1132, %swap3A_1133, %swap3A_1134], %broadcast_in_dim3A_5 {strides = array<i32>} : memref<4x20x1000xf32, #tpu.memory_space<vmem>>, vector<16xf32>,
      %mul3A_1136 = arith.constant 16 : i32
      %mul3A_1137 = arith.muli %scan3A_703, %mul3A_1136 : i32
      %swap3A_1138 = arith.constant 2 : i32
      %swap3A_1139 = arith.constant 14 : i32
      %swap3A_1140 = arith.index_cast %swap3A_1138 : i32 to index
      %swap3A_1141 = arith.index_cast %swap3A_1139 : i32 to index
      %swap3A_1142 = arith.index_cast %mul3A_1137 : i32 to index
      %swap3A_1143 = tpu.vector_load %arg5[%swap3A_1140, %swap3A_1141, %swap3A_1142] {strides = array<i32>} : memref<4x20x1000xf32, #tpu.memory_space<vmem>>, vector<16xf32>,
      tpu.vector_store %arg5[%swap3A_1140, %swap3A_1141, %swap3A_1142], %broadcast_in_dim3A_5 {strides = array<i32>} : memref<4x20x1000xf32, #tpu.memory_space<vmem>>, vector<16xf32>,
      %mul3A_1144 = arith.constant 16 : i32
      %mul3A_1145 = arith.muli %scan3A_703, %mul3A_1144 : i32
      %swap3A_1146 = arith.constant 2 : i32
      %swap3A_1147 = arith.constant 15 : i32
      %swap3A_1148 = arith.index_cast %swap3A_1146 : i32 to index
      %swap3A_1149 = arith.index_cast %swap3A_1147 : i32 to index
      %swap3A_1150 = arith.index_cast %mul3A_1145 : i32 to index
      %swap3A_1151 = tpu.vector_load %arg5[%swap3A_1148, %swap3A_1149, %swap3A_1150] {strides = array<i32>} : memref<4x20x1000xf32, #tpu.memory_space<vmem>>, vector<16xf32>,
      tpu.vector_store %arg5[%swap3A_1148, %swap3A_1149, %swap3A_1150], %broadcast_in_dim3A_5 {strides = array<i32>} : memref<4x20x1000xf32, #tpu.memory_space<vmem>>, vector<16xf32>,
      %mul3A_1152 = arith.constant 16 : i32
      %mul3A_1153 = arith.muli %scan3A_703, %mul3A_1152 : i32
      %swap3A_1154 = arith.constant 2 : i32
      %swap3A_1155 = arith.constant 16 : i32
      %swap3A_1156 = arith.index_cast %swap3A_1154 : i32 to index
      %swap3A_1157 = arith.index_cast %swap3A_1155 : i32 to index
      %swap3A_1158 = arith.index_cast %mul3A_1153 : i32 to index
      %swap3A_1159 = tpu.vector_load %arg5[%swap3A_1156, %swap3A_1157, %swap3A_1158] {strides = array<i32>} : memref<4x20x1000xf32, #tpu.memory_space<vmem>>, vector<16xf32>,
      tpu.vector_store %arg5[%swap3A_1156, %swap3A_1157, %swap3A_1158], %broadcast_in_dim3A_5 {strides = array<i32>} : memref<4x20x1000xf32, #tpu.memory_space<vmem>>, vector<16xf32>,
      %mul3A_1160 = arith.constant 16 : i32
      %mul3A_1161 = arith.muli %scan3A_703, %mul3A_1160 : i32
      %swap3A_1162 = arith.constant 2 : i32
      %swap3A_1163 = arith.constant 17 : i32
      %swap3A_1164 = arith.index_cast %swap3A_1162 : i32 to index
      %swap3A_1165 = arith.index_cast %swap3A_1163 : i32 to index
      %swap3A_1166 = arith.index_cast %mul3A_1161 : i32 to index
      %swap3A_1167 = tpu.vector_load %arg5[%swap3A_1164, %swap3A_1165, %swap3A_1166] {strides = array<i32>} : memref<4x20x1000xf32, #tpu.memory_space<vmem>>, vector<16xf32>,
      tpu.vector_store %arg5[%swap3A_1164, %swap3A_1165, %swap3A_1166], %broadcast_in_dim3A_5 {strides = array<i32>} : memref<4x20x1000xf32, #tpu.memory_space<vmem>>, vector<16xf32>,
      %mul3A_1168 = arith.constant 16 : i32
      %mul3A_1169 = arith.muli %scan3A_703, %mul3A_1168 : i32
      %swap3A_1170 = arith.constant 2 : i32
      %swap3A_1171 = arith.constant 18 : i32
      %swap3A_1172 = arith.index_cast %swap3A_1170 : i32 to index
      %swap3A_1173 = arith.index_cast %swap3A_1171 : i32 to index
      %swap3A_1174 = arith.index_cast %mul3A_1169 : i32 to index
      %swap3A_1175 = tpu.vector_load %arg5[%swap3A_1172, %swap3A_1173, %swap3A_1174] {strides = array<i32>} : memref<4x20x1000xf32, #tpu.memory_space<vmem>>, vector<16xf32>,
      tpu.vector_store %arg5[%swap3A_1172, %swap3A_1173, %swap3A_1174], %broadcast_in_dim3A_5 {strides = array<i32>} : memref<4x20x1000xf32, #tpu.memory_space<vmem>>, vector<16xf32>,
      %mul3A_1176 = arith.constant 16 : i32
      %mul3A_1177 = arith.muli %scan3A_703, %mul3A_1176 : i32
      %swap3A_1178 = arith.constant 2 : i32
      %swap3A_1179 = arith.constant 19 : i32
      %swap3A_1180 = arith.index_cast %swap3A_1178 : i32 to index
      %swap3A_1181 = arith.index_cast %swap3A_1179 : i32 to index
      %swap3A_1182 = arith.index_cast %mul3A_1177 : i32 to index
      %swap3A_1183 = tpu.vector_load %arg5[%swap3A_1180, %swap3A_1181, %swap3A_1182] {strides = array<i32>} : memref<4x20x1000xf32, #tpu.memory_space<vmem>>, vector<16xf32>,
      tpu.vector_store %arg5[%swap3A_1180, %swap3A_1181, %swap3A_1182], %broadcast_in_dim3A_5 {strides = array<i32>} : memref<4x20x1000xf32, #tpu.memory_space<vmem>>, vector<16xf32>,
      %mul3A_1184 = arith.constant 16 : i32
      %mul3A_1185 = arith.muli %scan3A_703, %mul3A_1184 : i32
      %swap3A_1186 = arith.constant 3 : i32
      %swap3A_1187 = arith.constant 0 : i32
      %swap3A_1188 = arith.index_cast %swap3A_1186 : i32 to index
      %swap3A_1189 = arith.index_cast %swap3A_1187 : i32 to index
      %swap3A_1190 = arith.index_cast %mul3A_1185 : i32 to index
      %swap3A_1191 = tpu.vector_load %arg5[%swap3A_1188, %swap3A_1189, %swap3A_1190] {strides = array<i32>} : memref<4x20x1000xf32, #tpu.memory_space<vmem>>, vector<16xf32>,
      tpu.vector_store %arg5[%swap3A_1188, %swap3A_1189, %swap3A_1190], %broadcast_in_dim3A_5 {strides = array<i32>} : memref<4x20x1000xf32, #tpu.memory_space<vmem>>, vector<16xf32>,
      %mul3A_1192 = arith.constant 16 : i32
      %mul3A_1193 = arith.muli %scan3A_703, %mul3A_1192 : i32
      %swap3A_1194 = arith.constant 3 : i32
      %swap3A_1195 = arith.constant 1 : i32
      %swap3A_1196 = arith.index_cast %swap3A_1194 : i32 to index
      %swap3A_1197 = arith.index_cast %swap3A_1195 : i32 to index
      %swap3A_1198 = arith.index_cast %mul3A_1193 : i32 to index
      %swap3A_1199 = tpu.vector_load %arg5[%swap3A_1196, %swap3A_1197, %swap3A_1198] {strides = array<i32>} : memref<4x20x1000xf32, #tpu.memory_space<vmem>>, vector<16xf32>,
      tpu.vector_store %arg5[%swap3A_1196, %swap3A_1197, %swap3A_1198], %broadcast_in_dim3A_5 {strides = array<i32>} : memref<4x20x1000xf32, #tpu.memory_space<vmem>>, vector<16xf32>,
      %mul3A_1200 = arith.constant 16 : i32
      %mul3A_1201 = arith.muli %scan3A_703, %mul3A_1200 : i32
      %swap3A_1202 = arith.constant 3 : i32
      %swap3A_1203 = arith.constant 2 : i32
      %swap3A_1204 = arith.index_cast %swap3A_1202 : i32 to index
      %swap3A_1205 = arith.index_cast %swap3A_1203 : i32 to index
      %swap3A_1206 = arith.index_cast %mul3A_1201 : i32 to index
      %swap3A_1207 = tpu.vector_load %arg5[%swap3A_1204, %swap3A_1205, %swap3A_1206] {strides = array<i32>} : memref<4x20x1000xf32, #tpu.memory_space<vmem>>, vector<16xf32>,
      tpu.vector_store %arg5[%swap3A_1204, %swap3A_1205, %swap3A_1206], %broadcast_in_dim3A_5 {strides = array<i32>} : memref<4x20x1000xf32, #tpu.memory_space<vmem>>, vector<16xf32>,
      %mul3A_1208 = arith.constant 16 : i32
      %mul3A_1209 = arith.muli %scan3A_703, %mul3A_1208 : i32
      %swap3A_1210 = arith.constant 3 : i32
      %swap3A_1211 = arith.constant 3 : i32
      %swap3A_1212 = arith.index_cast %swap3A_1210 : i32 to index
      %swap3A_1213 = arith.index_cast %swap3A_1211 : i32 to index
      %swap3A_1214 = arith.index_cast %mul3A_1209 : i32 to index
      %swap3A_1215 = tpu.vector_load %arg5[%swap3A_1212, %swap3A_1213, %swap3A_1214] {strides = array<i32>} : memref<4x20x1000xf32, #tpu.memory_space<vmem>>, vector<16xf32>,
      tpu.vector_store %arg5[%swap3A_1212, %swap3A_1213, %swap3A_1214], %broadcast_in_dim3A_5 {strides = array<i32>} : memref<4x20x1000xf32, #tpu.memory_space<vmem>>, vector<16xf32>,
      %mul3A_1216 = arith.constant 16 : i32
      %mul3A_1217 = arith.muli %scan3A_703, %mul3A_1216 : i32
      %swap3A_1218 = arith.constant 3 : i32
      %swap3A_1219 = arith.constant 4 : i32
      %swap3A_1220 = arith.index_cast %swap3A_1218 : i32 to index
      %swap3A_1221 = arith.index_cast %swap3A_1219 : i32 to index
      %swap3A_1222 = arith.index_cast %mul3A_1217 : i32 to index
      %swap3A_1223 = tpu.vector_load %arg5[%swap3A_1220, %swap3A_1221, %swap3A_1222] {strides = array<i32>} : memref<4x20x1000xf32, #tpu.memory_space<vmem>>, vector<16xf32>,
      tpu.vector_store %arg5[%swap3A_1220, %swap3A_1221, %swap3A_1222], %broadcast_in_dim3A_5 {strides = array<i32>} : memref<4x20x1000xf32, #tpu.memory_space<vmem>>, vector<16xf32>,
      %mul3A_1224 = arith.constant 16 : i32
      %mul3A_1225 = arith.muli %scan3A_703, %mul3A_1224 : i32
      %swap3A_1226 = arith.constant 3 : i32
      %swap3A_1227 = arith.constant 5 : i32
      %swap3A_1228 = arith.index_cast %swap3A_1226 : i32 to index
      %swap3A_1229 = arith.index_cast %swap3A_1227 : i32 to index
      %swap3A_1230 = arith.index_cast %mul3A_1225 : i32 to index
      %swap3A_1231 = tpu.vector_load %arg5[%swap3A_1228, %swap3A_1229, %swap3A_1230] {strides = array<i32>} : memref<4x20x1000xf32, #tpu.memory_space<vmem>>, vector<16xf32>,
      tpu.vector_store %arg5[%swap3A_1228, %swap3A_1229, %swap3A_1230], %broadcast_in_dim3A_5 {strides = array<i32>} : memref<4x20x1000xf32, #tpu.memory_space<vmem>>, vector<16xf32>,
      %mul3A_1232 = arith.constant 16 : i32
      %mul3A_1233 = arith.muli %scan3A_703, %mul3A_1232 : i32
      %swap3A_1234 = arith.constant 3 : i32
      %swap3A_1235 = arith.constant 6 : i32
      %swap3A_1236 = arith.index_cast %swap3A_1234 : i32 to index
      %swap3A_1237 = arith.index_cast %swap3A_1235 : i32 to index
      %swap3A_1238 = arith.index_cast %mul3A_1233 : i32 to index
      %swap3A_1239 = tpu.vector_load %arg5[%swap3A_1236, %swap3A_1237, %swap3A_1238] {strides = array<i32>} : memref<4x20x1000xf32, #tpu.memory_space<vmem>>, vector<16xf32>,
      tpu.vector_store %arg5[%swap3A_1236, %swap3A_1237, %swap3A_1238], %broadcast_in_dim3A_5 {strides = array<i32>} : memref<4x20x1000xf32, #tpu.memory_space<vmem>>, vector<16xf32>,
      %mul3A_1240 = arith.constant 16 : i32
      %mul3A_1241 = arith.muli %scan3A_703, %mul3A_1240 : i32
      %swap3A_1242 = arith.constant 3 : i32
      %swap3A_1243 = arith.constant 7 : i32
      %swap3A_1244 = arith.index_cast %swap3A_1242 : i32 to index
      %swap3A_1245 = arith.index_cast %swap3A_1243 : i32 to index
      %swap3A_1246 = arith.index_cast %mul3A_1241 : i32 to index
      %swap3A_1247 = tpu.vector_load %arg5[%swap3A_1244, %swap3A_1245, %swap3A_1246] {strides = array<i32>} : memref<4x20x1000xf32, #tpu.memory_space<vmem>>, vector<16xf32>,
      tpu.vector_store %arg5[%swap3A_1244, %swap3A_1245, %swap3A_1246], %broadcast_in_dim3A_5 {strides = array<i32>} : memref<4x20x1000xf32, #tpu.memory_space<vmem>>, vector<16xf32>,
      %mul3A_1248 = arith.constant 16 : i32
      %mul3A_1249 = arith.muli %scan3A_703, %mul3A_1248 : i32
      %swap3A_1250 = arith.constant 3 : i32
      %swap3A_1251 = arith.constant 8 : i32
      %swap3A_1252 = arith.index_cast %swap3A_1250 : i32 to index
      %swap3A_1253 = arith.index_cast %swap3A_1251 : i32 to index
      %swap3A_1254 = arith.index_cast %mul3A_1249 : i32 to index
      %swap3A_1255 = tpu.vector_load %arg5[%swap3A_1252, %swap3A_1253, %swap3A_1254] {strides = array<i32>} : memref<4x20x1000xf32, #tpu.memory_space<vmem>>, vector<16xf32>,
      tpu.vector_store %arg5[%swap3A_1252, %swap3A_1253, %swap3A_1254], %broadcast_in_dim3A_5 {strides = array<i32>} : memref<4x20x1000xf32, #tpu.memory_space<vmem>>, vector<16xf32>,
      %mul3A_1256 = arith.constant 16 : i32
      %mul3A_1257 = arith.muli %scan3A_703, %mul3A_1256 : i32
      %swap3A_1258 = arith.constant 3 : i32
      %swap3A_1259 = arith.constant 9 : i32
      %swap3A_1260 = arith.index_cast %swap3A_1258 : i32 to index
      %swap3A_1261 = arith.index_cast %swap3A_1259 : i32 to index
      %swap3A_1262 = arith.index_cast %mul3A_1257 : i32 to index
      %swap3A_1263 = tpu.vector_load %arg5[%swap3A_1260, %swap3A_1261, %swap3A_1262] {strides = array<i32>} : memref<4x20x1000xf32, #tpu.memory_space<vmem>>, vector<16xf32>,
      tpu.vector_store %arg5[%swap3A_1260, %swap3A_1261, %swap3A_1262], %broadcast_in_dim3A_5 {strides = array<i32>} : memref<4x20x1000xf32, #tpu.memory_space<vmem>>, vector<16xf32>,
      %mul3A_1264 = arith.constant 16 : i32
      %mul3A_1265 = arith.muli %scan3A_703, %mul3A_1264 : i32
      %swap3A_1266 = arith.constant 3 : i32
      %swap3A_1267 = arith.constant 10 : i32
      %swap3A_1268 = arith.index_cast %swap3A_1266 : i32 to index
      %swap3A_1269 = arith.index_cast %swap3A_1267 : i32 to index
      %swap3A_1270 = arith.index_cast %mul3A_1265 : i32 to index
      %swap3A_1271 = tpu.vector_load %arg5[%swap3A_1268, %swap3A_1269, %swap3A_1270] {strides = array<i32>} : memref<4x20x1000xf32, #tpu.memory_space<vmem>>, vector<16xf32>,
      tpu.vector_store %arg5[%swap3A_1268, %swap3A_1269, %swap3A_1270], %broadcast_in_dim3A_5 {strides = array<i32>} : memref<4x20x1000xf32, #tpu.memory_space<vmem>>, vector<16xf32>,
      %mul3A_1272 = arith.constant 16 : i32
      %mul3A_1273 = arith.muli %scan3A_703, %mul3A_1272 : i32
      %swap3A_1274 = arith.constant 3 : i32
      %swap3A_1275 = arith.constant 11 : i32
      %swap3A_1276 = arith.index_cast %swap3A_1274 : i32 to index
      %swap3A_1277 = arith.index_cast %swap3A_1275 : i32 to index
      %swap3A_1278 = arith.index_cast %mul3A_1273 : i32 to index
      %swap3A_1279 = tpu.vector_load %arg5[%swap3A_1276, %swap3A_1277, %swap3A_1278] {strides = array<i32>} : memref<4x20x1000xf32, #tpu.memory_space<vmem>>, vector<16xf32>,
      tpu.vector_store %arg5[%swap3A_1276, %swap3A_1277, %swap3A_1278], %broadcast_in_dim3A_5 {strides = array<i32>} : memref<4x20x1000xf32, #tpu.memory_space<vmem>>, vector<16xf32>,
      %mul3A_1280 = arith.constant 16 : i32
      %mul3A_1281 = arith.muli %scan3A_703, %mul3A_1280 : i32
      %swap3A_1282 = arith.constant 3 : i32
      %swap3A_1283 = arith.constant 12 : i32
      %swap3A_1284 = arith.index_cast %swap3A_1282 : i32 to index
      %swap3A_1285 = arith.index_cast %swap3A_1283 : i32 to index
      %swap3A_1286 = arith.index_cast %mul3A_1281 : i32 to index
      %swap3A_1287 = tpu.vector_load %arg5[%swap3A_1284, %swap3A_1285, %swap3A_1286] {strides = array<i32>} : memref<4x20x1000xf32, #tpu.memory_space<vmem>>, vector<16xf32>,
      tpu.vector_store %arg5[%swap3A_1284, %swap3A_1285, %swap3A_1286], %broadcast_in_dim3A_5 {strides = array<i32>} : memref<4x20x1000xf32, #tpu.memory_space<vmem>>, vector<16xf32>,
      %mul3A_1288 = arith.constant 16 : i32
      %mul3A_1289 = arith.muli %scan3A_703, %mul3A_1288 : i32
      %swap3A_1290 = arith.constant 3 : i32
      %swap3A_1291 = arith.constant 13 : i32
      %swap3A_1292 = arith.index_cast %swap3A_1290 : i32 to index
      %swap3A_1293 = arith.index_cast %swap3A_1291 : i32 to index
      %swap3A_1294 = arith.index_cast %mul3A_1289 : i32 to index
      %swap3A_1295 = tpu.vector_load %arg5[%swap3A_1292, %swap3A_1293, %swap3A_1294] {strides = array<i32>} : memref<4x20x1000xf32, #tpu.memory_space<vmem>>, vector<16xf32>,
      tpu.vector_store %arg5[%swap3A_1292, %swap3A_1293, %swap3A_1294], %broadcast_in_dim3A_5 {strides = array<i32>} : memref<4x20x1000xf32, #tpu.memory_space<vmem>>, vector<16xf32>,
      %mul3A_1296 = arith.constant 16 : i32
      %mul3A_1297 = arith.muli %scan3A_703, %mul3A_1296 : i32
      %swap3A_1298 = arith.constant 3 : i32
      %swap3A_1299 = arith.constant 14 : i32
      %swap3A_1300 = arith.index_cast %swap3A_1298 : i32 to index
      %swap3A_1301 = arith.index_cast %swap3A_1299 : i32 to index
      %swap3A_1302 = arith.index_cast %mul3A_1297 : i32 to index
      %swap3A_1303 = tpu.vector_load %arg5[%swap3A_1300, %swap3A_1301, %swap3A_1302] {strides = array<i32>} : memref<4x20x1000xf32, #tpu.memory_space<vmem>>, vector<16xf32>,
      tpu.vector_store %arg5[%swap3A_1300, %swap3A_1301, %swap3A_1302], %broadcast_in_dim3A_5 {strides = array<i32>} : memref<4x20x1000xf32, #tpu.memory_space<vmem>>, vector<16xf32>,
      %mul3A_1304 = arith.constant 16 : i32
      %mul3A_1305 = arith.muli %scan3A_703, %mul3A_1304 : i32
      %swap3A_1306 = arith.constant 3 : i32
      %swap3A_1307 = arith.constant 15 : i32
      %swap3A_1308 = arith.index_cast %swap3A_1306 : i32 to index
      %swap3A_1309 = arith.index_cast %swap3A_1307 : i32 to index
      %swap3A_1310 = arith.index_cast %mul3A_1305 : i32 to index
      %swap3A_1311 = tpu.vector_load %arg5[%swap3A_1308, %swap3A_1309, %swap3A_1310] {strides = array<i32>} : memref<4x20x1000xf32, #tpu.memory_space<vmem>>, vector<16xf32>,
      tpu.vector_store %arg5[%swap3A_1308, %swap3A_1309, %swap3A_1310], %broadcast_in_dim3A_5 {strides = array<i32>} : memref<4x20x1000xf32, #tpu.memory_space<vmem>>, vector<16xf32>,
      %mul3A_1312 = arith.constant 16 : i32
      %mul3A_1313 = arith.muli %scan3A_703, %mul3A_1312 : i32
      %swap3A_1314 = arith.constant 3 : i32
      %swap3A_1315 = arith.constant 16 : i32
      %swap3A_1316 = arith.index_cast %swap3A_1314 : i32 to index
      %swap3A_1317 = arith.index_cast %swap3A_1315 : i32 to index
      %swap3A_1318 = arith.index_cast %mul3A_1313 : i32 to index
      %swap3A_1319 = tpu.vector_load %arg5[%swap3A_1316, %swap3A_1317, %swap3A_1318] {strides = array<i32>} : memref<4x20x1000xf32, #tpu.memory_space<vmem>>, vector<16xf32>,
      tpu.vector_store %arg5[%swap3A_1316, %swap3A_1317, %swap3A_1318], %broadcast_in_dim3A_5 {strides = array<i32>} : memref<4x20x1000xf32, #tpu.memory_space<vmem>>, vector<16xf32>,
      %mul3A_1320 = arith.constant 16 : i32
      %mul3A_1321 = arith.muli %scan3A_703, %mul3A_1320 : i32
      %swap3A_1322 = arith.constant 3 : i32
      %swap3A_1323 = arith.constant 17 : i32
      %swap3A_1324 = arith.index_cast %swap3A_1322 : i32 to index
      %swap3A_1325 = arith.index_cast %swap3A_1323 : i32 to index
      %swap3A_1326 = arith.index_cast %mul3A_1321 : i32 to index
      %swap3A_1327 = tpu.vector_load %arg5[%swap3A_1324, %swap3A_1325, %swap3A_1326] {strides = array<i32>} : memref<4x20x1000xf32, #tpu.memory_space<vmem>>, vector<16xf32>,
      tpu.vector_store %arg5[%swap3A_1324, %swap3A_1325, %swap3A_1326], %broadcast_in_dim3A_5 {strides = array<i32>} : memref<4x20x1000xf32, #tpu.memory_space<vmem>>, vector<16xf32>,
      %mul3A_1328 = arith.constant 16 : i32
      %mul3A_1329 = arith.muli %scan3A_703, %mul3A_1328 : i32
      %swap3A_1330 = arith.constant 3 : i32
      %swap3A_1331 = arith.constant 18 : i32
      %swap3A_1332 = arith.index_cast %swap3A_1330 : i32 to index
      %swap3A_1333 = arith.index_cast %swap3A_1331 : i32 to index
      %swap3A_1334 = arith.index_cast %mul3A_1329 : i32 to index
      %swap3A_1335 = tpu.vector_load %arg5[%swap3A_1332, %swap3A_1333, %swap3A_1334] {strides = array<i32>} : memref<4x20x1000xf32, #tpu.memory_space<vmem>>, vector<16xf32>,
      tpu.vector_store %arg5[%swap3A_1332, %swap3A_1333, %swap3A_1334], %broadcast_in_dim3A_5 {strides = array<i32>} : memref<4x20x1000xf32, #tpu.memory_space<vmem>>, vector<16xf32>,
      %mul3A_1336 = arith.constant 16 : i32
      %mul3A_1337 = arith.muli %scan3A_703, %mul3A_1336 : i32
      %swap3A_1338 = arith.constant 3 : i32
      %swap3A_1339 = arith.constant 19 : i32
      %swap3A_1340 = arith.index_cast %swap3A_1338 : i32 to index
      %swap3A_1341 = arith.index_cast %swap3A_1339 : i32 to index
      %swap3A_1342 = arith.index_cast %mul3A_1337 : i32 to index
      %swap3A_1343 = tpu.vector_load %arg5[%swap3A_1340, %swap3A_1341, %swap3A_1342] {strides = array<i32>} : memref<4x20x1000xf32, #tpu.memory_space<vmem>>, vector<16xf32>,
      tpu.vector_store %arg5[%swap3A_1340, %swap3A_1341, %swap3A_1342], %broadcast_in_dim3A_5 {strides = array<i32>} : memref<4x20x1000xf32, #tpu.memory_space<vmem>>, vector<16xf32>,
    }
    %scan3A_12 = arith.constant 62 : i32
    %swap3A = arith.constant 0 : i32
    %swap3A_13 = arith.constant 0 : i32
    %swap3A_14 = arith.index_cast %swap3A : i32 to index
    %swap3A_15 = arith.index_cast %swap3A_13 : i32 to index
    %swap3A_16 = arith.constant 984 : index
    %swap3A_17 = tpu.vector_load %arg5[%swap3A_14, %swap3A_15, %swap3A_16] {strides = array<i32>} : memref<4x20x1000xf32, #tpu.memory_space<vmem>>, vector<16xf32>,
    tpu.vector_store %arg5[%swap3A_14, %swap3A_15, %swap3A_16], %broadcast_in_dim3A_5 {strides = array<i32>} : memref<4x20x1000xf32, #tpu.memory_space<vmem>>, vector<16xf32>,
    %swap3A_18 = arith.constant 0 : i32
    %swap3A_19 = arith.constant 1 : i32
    %swap3A_20 = arith.index_cast %swap3A_18 : i32 to index
    %swap3A_21 = arith.index_cast %swap3A_19 : i32 to index
    %swap3A_22 = arith.constant 984 : index
    %swap3A_23 = tpu.vector_load %arg5[%swap3A_20, %swap3A_21, %swap3A_22] {strides = array<i32>} : memref<4x20x1000xf32, #tpu.memory_space<vmem>>, vector<16xf32>,
    tpu.vector_store %arg5[%swap3A_20, %swap3A_21, %swap3A_22], %broadcast_in_dim3A_5 {strides = array<i32>} : memref<4x20x1000xf32, #tpu.memory_space<vmem>>, vector<16xf32>,
    %swap3A_24 = arith.constant 0 : i32
    %swap3A_25 = arith.constant 2 : i32
    %swap3A_26 = arith.index_cast %swap3A_24 : i32 to index
    %swap3A_27 = arith.index_cast %swap3A_25 : i32 to index
    %swap3A_28 = arith.constant 984 : index
    %swap3A_29 = tpu.vector_load %arg5[%swap3A_26, %swap3A_27, %swap3A_28] {strides = array<i32>} : memref<4x20x1000xf32, #tpu.memory_space<vmem>>, vector<16xf32>,
    tpu.vector_store %arg5[%swap3A_26, %swap3A_27, %swap3A_28], %broadcast_in_dim3A_5 {strides = array<i32>} : memref<4x20x1000xf32, #tpu.memory_space<vmem>>, vector<16xf32>,
    %swap3A_30 = arith.constant 0 : i32
    %swap3A_31 = arith.constant 3 : i32
    %swap3A_32 = arith.index_cast %swap3A_30 : i32 to index
    %swap3A_33 = arith.index_cast %swap3A_31 : i32 to index
    %swap3A_34 = arith.constant 984 : index
    %swap3A_35 = tpu.vector_load %arg5[%swap3A_32, %swap3A_33, %swap3A_34] {strides = array<i32>} : memref<4x20x1000xf32, #tpu.memory_space<vmem>>, vector<16xf32>,
    tpu.vector_store %arg5[%swap3A_32, %swap3A_33, %swap3A_34], %broadcast_in_dim3A_5 {strides = array<i32>} : memref<4x20x1000xf32, #tpu.memory_space<vmem>>, vector<16xf32>,
    %swap3A_36 = arith.constant 0 : i32
    %swap3A_37 = arith.constant 4 : i32
    %swap3A_38 = arith.index_cast %swap3A_36 : i32 to index
    %swap3A_39 = arith.index_cast %swap3A_37 : i32 to index
    %swap3A_40 = arith.constant 984 : index
    %swap3A_41 = tpu.vector_load %arg5[%swap3A_38, %swap3A_39, %swap3A_40] {strides = array<i32>} : memref<4x20x1000xf32, #tpu.memory_space<vmem>>, vector<16xf32>,
    tpu.vector_store %arg5[%swap3A_38, %swap3A_39, %swap3A_40], %broadcast_in_dim3A_5 {strides = array<i32>} : memref<4x20x1000xf32, #tpu.memory_space<vmem>>, vector<16xf32>,
    %swap3A_42 = arith.constant 0 : i32
    %swap3A_43 = arith.constant 5 : i32
    %swap3A_44 = arith.index_cast %swap3A_42 : i32 to index
    %swap3A_45 = arith.index_cast %swap3A_43 : i32 to index
    %swap3A_46 = arith.constant 984 : index
    %swap3A_47 = tpu.vector_load %arg5[%swap3A_44, %swap3A_45, %swap3A_46] {strides = array<i32>} : memref<4x20x1000xf32, #tpu.memory_space<vmem>>, vector<16xf32>,
    tpu.vector_store %arg5[%swap3A_44, %swap3A_45, %swap3A_46], %broadcast_in_dim3A_5 {strides = array<i32>} : memref<4x20x1000xf32, #tpu.memory_space<vmem>>, vector<16xf32>,
    %swap3A_48 = arith.constant 0 : i32
    %swap3A_49 = arith.constant 6 : i32
    %swap3A_50 = arith.index_cast %swap3A_48 : i32 to index
    %swap3A_51 = arith.index_cast %swap3A_49 : i32 to index
    %swap3A_52 = arith.constant 984 : index
    %swap3A_53 = tpu.vector_load %arg5[%swap3A_50, %swap3A_51, %swap3A_52] {strides = array<i32>} : memref<4x20x1000xf32, #tpu.memory_space<vmem>>, vector<16xf32>,
    tpu.vector_store %arg5[%swap3A_50, %swap3A_51, %swap3A_52], %broadcast_in_dim3A_5 {strides = array<i32>} : memref<4x20x1000xf32, #tpu.memory_space<vmem>>, vector<16xf32>,
    %swap3A_54 = arith.constant 0 : i32
    %swap3A_55 = arith.constant 7 : i32
    %swap3A_56 = arith.index_cast %swap3A_54 : i32 to index
    %swap3A_57 = arith.index_cast %swap3A_55 : i32 to index
    %swap3A_58 = arith.constant 984 : index
    %swap3A_59 = tpu.vector_load %arg5[%swap3A_56, %swap3A_57, %swap3A_58] {strides = array<i32>} : memref<4x20x1000xf32, #tpu.memory_space<vmem>>, vector<16xf32>,
    tpu.vector_store %arg5[%swap3A_56, %swap3A_57, %swap3A_58], %broadcast_in_dim3A_5 {strides = array<i32>} : memref<4x20x1000xf32, #tpu.memory_space<vmem>>, vector<16xf32>,
    %swap3A_60 = arith.constant 0 : i32
    %swap3A_61 = arith.constant 8 : i32
    %swap3A_62 = arith.index_cast %swap3A_60 : i32 to index
    %swap3A_63 = arith.index_cast %swap3A_61 : i32 to index
    %swap3A_64 = arith.constant 984 : index
    %swap3A_65 = tpu.vector_load %arg5[%swap3A_62, %swap3A_63, %swap3A_64] {strides = array<i32>} : memref<4x20x1000xf32, #tpu.memory_space<vmem>>, vector<16xf32>,
    tpu.vector_store %arg5[%swap3A_62, %swap3A_63, %swap3A_64], %broadcast_in_dim3A_5 {strides = array<i32>} : memref<4x20x1000xf32, #tpu.memory_space<vmem>>, vector<16xf32>,
    %swap3A_66 = arith.constant 0 : i32
    %swap3A_67 = arith.constant 9 : i32
    %swap3A_68 = arith.index_cast %swap3A_66 : i32 to index
    %swap3A_69 = arith.index_cast %swap3A_67 : i32 to index
    %swap3A_70 = arith.constant 984 : index
    %swap3A_71 = tpu.vector_load %arg5[%swap3A_68, %swap3A_69, %swap3A_70] {strides = array<i32>} : memref<4x20x1000xf32, #tpu.memory_space<vmem>>, vector<16xf32>,
    tpu.vector_store %arg5[%swap3A_68, %swap3A_69, %swap3A_70], %broadcast_in_dim3A_5 {strides = array<i32>} : memref<4x20x1000xf32, #tpu.memory_space<vmem>>, vector<16xf32>,
    %swap3A_72 = arith.constant 0 : i32
    %swap3A_73 = arith.constant 10 : i32
    %swap3A_74 = arith.index_cast %swap3A_72 : i32 to index
    %swap3A_75 = arith.index_cast %swap3A_73 : i32 to index
    %swap3A_76 = arith.constant 984 : index
    %swap3A_77 = tpu.vector_load %arg5[%swap3A_74, %swap3A_75, %swap3A_76] {strides = array<i32>} : memref<4x20x1000xf32, #tpu.memory_space<vmem>>, vector<16xf32>,
    tpu.vector_store %arg5[%swap3A_74, %swap3A_75, %swap3A_76], %broadcast_in_dim3A_5 {strides = array<i32>} : memref<4x20x1000xf32, #tpu.memory_space<vmem>>, vector<16xf32>,
    %swap3A_78 = arith.constant 0 : i32
    %swap3A_79 = arith.constant 11 : i32
    %swap3A_80 = arith.index_cast %swap3A_78 : i32 to index
    %swap3A_81 = arith.index_cast %swap3A_79 : i32 to index
    %swap3A_82 = arith.constant 984 : index
    %swap3A_83 = tpu.vector_load %arg5[%swap3A_80, %swap3A_81, %swap3A_82] {strides = array<i32>} : memref<4x20x1000xf32, #tpu.memory_space<vmem>>, vector<16xf32>,
    tpu.vector_store %arg5[%swap3A_80, %swap3A_81, %swap3A_82], %broadcast_in_dim3A_5 {strides = array<i32>} : memref<4x20x1000xf32, #tpu.memory_space<vmem>>, vector<16xf32>,
    %swap3A_84 = arith.constant 0 : i32
    %swap3A_85 = arith.constant 12 : i32
    %swap3A_86 = arith.index_cast %swap3A_84 : i32 to index
    %swap3A_87 = arith.index_cast %swap3A_85 : i32 to index
    %swap3A_88 = arith.constant 984 : index
    %swap3A_89 = tpu.vector_load %arg5[%swap3A_86, %swap3A_87, %swap3A_88] {strides = array<i32>} : memref<4x20x1000xf32, #tpu.memory_space<vmem>>, vector<16xf32>,
    tpu.vector_store %arg5[%swap3A_86, %swap3A_87, %swap3A_88], %broadcast_in_dim3A_5 {strides = array<i32>} : memref<4x20x1000xf32, #tpu.memory_space<vmem>>, vector<16xf32>,
    %swap3A_90 = arith.constant 0 : i32
    %swap3A_91 = arith.constant 13 : i32
    %swap3A_92 = arith.index_cast %swap3A_90 : i32 to index
    %swap3A_93 = arith.index_cast %swap3A_91 : i32 to index
    %swap3A_94 = arith.constant 984 : index
    %swap3A_95 = tpu.vector_load %arg5[%swap3A_92, %swap3A_93, %swap3A_94] {strides = array<i32>} : memref<4x20x1000xf32, #tpu.memory_space<vmem>>, vector<16xf32>,
    tpu.vector_store %arg5[%swap3A_92, %swap3A_93, %swap3A_94], %broadcast_in_dim3A_5 {strides = array<i32>} : memref<4x20x1000xf32, #tpu.memory_space<vmem>>, vector<16xf32>,
    %swap3A_96 = arith.constant 0 : i32
    %swap3A_97 = arith.constant 14 : i32
    %swap3A_98 = arith.index_cast %swap3A_96 : i32 to index
    %swap3A_99 = arith.index_cast %swap3A_97 : i32 to index
    %swap3A_100 = arith.constant 984 : index
    %swap3A_101 = tpu.vector_load %arg5[%swap3A_98, %swap3A_99, %swap3A_100] {strides = array<i32>} : memref<4x20x1000xf32, #tpu.memory_space<vmem>>, vector<16xf32>,
    tpu.vector_store %arg5[%swap3A_98, %swap3A_99, %swap3A_100], %broadcast_in_dim3A_5 {strides = array<i32>} : memref<4x20x1000xf32, #tpu.memory_space<vmem>>, vector<16xf32>,
    %swap3A_102 = arith.constant 0 : i32
    %swap3A_103 = arith.constant 15 : i32
    %swap3A_104 = arith.index_cast %swap3A_102 : i32 to index
    %swap3A_105 = arith.index_cast %swap3A_103 : i32 to index
    %swap3A_106 = arith.constant 984 : index
    %swap3A_107 = tpu.vector_load %arg5[%swap3A_104, %swap3A_105, %swap3A_106] {strides = array<i32>} : memref<4x20x1000xf32, #tpu.memory_space<vmem>>, vector<16xf32>,
    tpu.vector_store %arg5[%swap3A_104, %swap3A_105, %swap3A_106], %broadcast_in_dim3A_5 {strides = array<i32>} : memref<4x20x1000xf32, #tpu.memory_space<vmem>>, vector<16xf32>,
    %swap3A_108 = arith.constant 0 : i32
    %swap3A_109 = arith.constant 16 : i32
    %swap3A_110 = arith.index_cast %swap3A_108 : i32 to index
    %swap3A_111 = arith.index_cast %swap3A_109 : i32 to index
    %swap3A_112 = arith.constant 984 : index
    %swap3A_113 = tpu.vector_load %arg5[%swap3A_110, %swap3A_111, %swap3A_112] {strides = array<i32>} : memref<4x20x1000xf32, #tpu.memory_space<vmem>>, vector<16xf32>,
    tpu.vector_store %arg5[%swap3A_110, %swap3A_111, %swap3A_112], %broadcast_in_dim3A_5 {strides = array<i32>} : memref<4x20x1000xf32, #tpu.memory_space<vmem>>, vector<16xf32>,
    %swap3A_114 = arith.constant 0 : i32
    %swap3A_115 = arith.constant 17 : i32
    %swap3A_116 = arith.index_cast %swap3A_114 : i32 to index
    %swap3A_117 = arith.index_cast %swap3A_115 : i32 to index
    %swap3A_118 = arith.constant 984 : index
    %swap3A_119 = tpu.vector_load %arg5[%swap3A_116, %swap3A_117, %swap3A_118] {strides = array<i32>} : memref<4x20x1000xf32, #tpu.memory_space<vmem>>, vector<16xf32>,
    tpu.vector_store %arg5[%swap3A_116, %swap3A_117, %swap3A_118], %broadcast_in_dim3A_5 {strides = array<i32>} : memref<4x20x1000xf32, #tpu.memory_space<vmem>>, vector<16xf32>,
    %swap3A_120 = arith.constant 0 : i32
    %swap3A_121 = arith.constant 18 : i32
    %swap3A_122 = arith.index_cast %swap3A_120 : i32 to index
    %swap3A_123 = arith.index_cast %swap3A_121 : i32 to index
    %swap3A_124 = arith.constant 984 : index
    %swap3A_125 = tpu.vector_load %arg5[%swap3A_122, %swap3A_123, %swap3A_124] {strides = array<i32>} : memref<4x20x1000xf32, #tpu.memory_space<vmem>>, vector<16xf32>,
    tpu.vector_store %arg5[%swap3A_122, %swap3A_123, %swap3A_124], %broadcast_in_dim3A_5 {strides = array<i32>} : memref<4x20x1000xf32, #tpu.memory_space<vmem>>, vector<16xf32>,
    %swap3A_126 = arith.constant 0 : i32
    %swap3A_127 = arith.constant 19 : i32
    %swap3A_128 = arith.index_cast %swap3A_126 : i32 to index
    %swap3A_129 = arith.index_cast %swap3A_127 : i32 to index
    %swap3A_130 = arith.constant 984 : index
    %swap3A_131 = tpu.vector_load %arg5[%swap3A_128, %swap3A_129, %swap3A_130] {strides = array<i32>} : memref<4x20x1000xf32, #tpu.memory_space<vmem>>, vector<16xf32>,
    tpu.vector_store %arg5[%swap3A_128, %swap3A_129, %swap3A_130], %broadcast_in_dim3A_5 {strides = array<i32>} : memref<4x20x1000xf32, #tpu.memory_space<vmem>>, vector<16xf32>,
    %swap3A_132 = arith.constant 1 : i32
    %swap3A_133 = arith.constant 0 : i32
    %swap3A_134 = arith.index_cast %swap3A_132 : i32 to index
    %swap3A_135 = arith.index_cast %swap3A_133 : i32 to index
    %swap3A_136 = arith.constant 984 : index
    %swap3A_137 = tpu.vector_load %arg5[%swap3A_134, %swap3A_135, %swap3A_136] {strides = array<i32>} : memref<4x20x1000xf32, #tpu.memory_space<vmem>>, vector<16xf32>,
    tpu.vector_store %arg5[%swap3A_134, %swap3A_135, %swap3A_136], %broadcast_in_dim3A_5 {strides = array<i32>} : memref<4x20x1000xf32, #tpu.memory_space<vmem>>, vector<16xf32>,
    %swap3A_138 = arith.constant 1 : i32
    %swap3A_139 = arith.constant 1 : i32
    %swap3A_140 = arith.index_cast %swap3A_138 : i32 to index
    %swap3A_141 = arith.index_cast %swap3A_139 : i32 to index
    %swap3A_142 = arith.constant 984 : index
    %swap3A_143 = tpu.vector_load %arg5[%swap3A_140, %swap3A_141, %swap3A_142] {strides = array<i32>} : memref<4x20x1000xf32, #tpu.memory_space<vmem>>, vector<16xf32>,
    tpu.vector_store %arg5[%swap3A_140, %swap3A_141, %swap3A_142], %broadcast_in_dim3A_5 {strides = array<i32>} : memref<4x20x1000xf32, #tpu.memory_space<vmem>>, vector<16xf32>,
    %swap3A_144 = arith.constant 1 : i32
    %swap3A_145 = arith.constant 2 : i32
    %swap3A_146 = arith.index_cast %swap3A_144 : i32 to index
    %swap3A_147 = arith.index_cast %swap3A_145 : i32 to index
    %swap3A_148 = arith.constant 984 : index
    %swap3A_149 = tpu.vector_load %arg5[%swap3A_146, %swap3A_147, %swap3A_148] {strides = array<i32>} : memref<4x20x1000xf32, #tpu.memory_space<vmem>>, vector<16xf32>,
    tpu.vector_store %arg5[%swap3A_146, %swap3A_147, %swap3A_148], %broadcast_in_dim3A_5 {strides = array<i32>} : memref<4x20x1000xf32, #tpu.memory_space<vmem>>, vector<16xf32>,
    %swap3A_150 = arith.constant 1 : i32
    %swap3A_151 = arith.constant 3 : i32
    %swap3A_152 = arith.index_cast %swap3A_150 : i32 to index
    %swap3A_153 = arith.index_cast %swap3A_151 : i32 to index
    %swap3A_154 = arith.constant 984 : index
    %swap3A_155 = tpu.vector_load %arg5[%swap3A_152, %swap3A_153, %swap3A_154] {strides = array<i32>} : memref<4x20x1000xf32, #tpu.memory_space<vmem>>, vector<16xf32>,
    tpu.vector_store %arg5[%swap3A_152, %swap3A_153, %swap3A_154], %broadcast_in_dim3A_5 {strides = array<i32>} : memref<4x20x1000xf32, #tpu.memory_space<vmem>>, vector<16xf32>,
    %swap3A_156 = arith.constant 1 : i32
    %swap3A_157 = arith.constant 4 : i32
    %swap3A_158 = arith.index_cast %swap3A_156 : i32 to index
    %swap3A_159 = arith.index_cast %swap3A_157 : i32 to index
    %swap3A_160 = arith.constant 984 : index
    %swap3A_161 = tpu.vector_load %arg5[%swap3A_158, %swap3A_159, %swap3A_160] {strides = array<i32>} : memref<4x20x1000xf32, #tpu.memory_space<vmem>>, vector<16xf32>,
    tpu.vector_store %arg5[%swap3A_158, %swap3A_159, %swap3A_160], %broadcast_in_dim3A_5 {strides = array<i32>} : memref<4x20x1000xf32, #tpu.memory_space<vmem>>, vector<16xf32>,
    %swap3A_162 = arith.constant 1 : i32
    %swap3A_163 = arith.constant 5 : i32
    %swap3A_164 = arith.index_cast %swap3A_162 : i32 to index
    %swap3A_165 = arith.index_cast %swap3A_163 : i32 to index
    %swap3A_166 = arith.constant 984 : index
    %swap3A_167 = tpu.vector_load %arg5[%swap3A_164, %swap3A_165, %swap3A_166] {strides = array<i32>} : memref<4x20x1000xf32, #tpu.memory_space<vmem>>, vector<16xf32>,
    tpu.vector_store %arg5[%swap3A_164, %swap3A_165, %swap3A_166], %broadcast_in_dim3A_5 {strides = array<i32>} : memref<4x20x1000xf32, #tpu.memory_space<vmem>>, vector<16xf32>,
    %swap3A_168 = arith.constant 1 : i32
    %swap3A_169 = arith.constant 6 : i32
    %swap3A_170 = arith.index_cast %swap3A_168 : i32 to index
    %swap3A_171 = arith.index_cast %swap3A_169 : i32 to index
    %swap3A_172 = arith.constant 984 : index
    %swap3A_173 = tpu.vector_load %arg5[%swap3A_170, %swap3A_171, %swap3A_172] {strides = array<i32>} : memref<4x20x1000xf32, #tpu.memory_space<vmem>>, vector<16xf32>,
    tpu.vector_store %arg5[%swap3A_170, %swap3A_171, %swap3A_172], %broadcast_in_dim3A_5 {strides = array<i32>} : memref<4x20x1000xf32, #tpu.memory_space<vmem>>, vector<16xf32>,
    %swap3A_174 = arith.constant 1 : i32
    %swap3A_175 = arith.constant 7 : i32
    %swap3A_176 = arith.index_cast %swap3A_174 : i32 to index
    %swap3A_177 = arith.index_cast %swap3A_175 : i32 to index
    %swap3A_178 = arith.constant 984 : index
    %swap3A_179 = tpu.vector_load %arg5[%swap3A_176, %swap3A_177, %swap3A_178] {strides = array<i32>} : memref<4x20x1000xf32, #tpu.memory_space<vmem>>, vector<16xf32>,
    tpu.vector_store %arg5[%swap3A_176, %swap3A_177, %swap3A_178], %broadcast_in_dim3A_5 {strides = array<i32>} : memref<4x20x1000xf32, #tpu.memory_space<vmem>>, vector<16xf32>,
    %swap3A_180 = arith.constant 1 : i32
    %swap3A_181 = arith.constant 8 : i32
    %swap3A_182 = arith.index_cast %swap3A_180 : i32 to index
    %swap3A_183 = arith.index_cast %swap3A_181 : i32 to index
    %swap3A_184 = arith.constant 984 : index
    %swap3A_185 = tpu.vector_load %arg5[%swap3A_182, %swap3A_183, %swap3A_184] {strides = array<i32>} : memref<4x20x1000xf32, #tpu.memory_space<vmem>>, vector<16xf32>,
    tpu.vector_store %arg5[%swap3A_182, %swap3A_183, %swap3A_184], %broadcast_in_dim3A_5 {strides = array<i32>} : memref<4x20x1000xf32, #tpu.memory_space<vmem>>, vector<16xf32>,
    %swap3A_186 = arith.constant 1 : i32
    %swap3A_187 = arith.constant 9 : i32
    %swap3A_188 = arith.index_cast %swap3A_186 : i32 to index
    %swap3A_189 = arith.index_cast %swap3A_187 : i32 to index
    %swap3A_190 = arith.constant 984 : index
    %swap3A_191 = tpu.vector_load %arg5[%swap3A_188, %swap3A_189, %swap3A_190] {strides = array<i32>} : memref<4x20x1000xf32, #tpu.memory_space<vmem>>, vector<16xf32>,
    tpu.vector_store %arg5[%swap3A_188, %swap3A_189, %swap3A_190], %broadcast_in_dim3A_5 {strides = array<i32>} : memref<4x20x1000xf32, #tpu.memory_space<vmem>>, vector<16xf32>,
    %swap3A_192 = arith.constant 1 : i32
    %swap3A_193 = arith.constant 10 : i32
    %swap3A_194 = arith.index_cast %swap3A_192 : i32 to index
    %swap3A_195 = arith.index_cast %swap3A_193 : i32 to index
    %swap3A_196 = arith.constant 984 : index
    %swap3A_197 = tpu.vector_load %arg5[%swap3A_194, %swap3A_195, %swap3A_196] {strides = array<i32>} : memref<4x20x1000xf32, #tpu.memory_space<vmem>>, vector<16xf32>,
    tpu.vector_store %arg5[%swap3A_194, %swap3A_195, %swap3A_196], %broadcast_in_dim3A_5 {strides = array<i32>} : memref<4x20x1000xf32, #tpu.memory_space<vmem>>, vector<16xf32>,
    %swap3A_198 = arith.constant 1 : i32
    %swap3A_199 = arith.constant 11 : i32
    %swap3A_200 = arith.index_cast %swap3A_198 : i32 to index
    %swap3A_201 = arith.index_cast %swap3A_199 : i32 to index
    %swap3A_202 = arith.constant 984 : index
    %swap3A_203 = tpu.vector_load %arg5[%swap3A_200, %swap3A_201, %swap3A_202] {strides = array<i32>} : memref<4x20x1000xf32, #tpu.memory_space<vmem>>, vector<16xf32>,
    tpu.vector_store %arg5[%swap3A_200, %swap3A_201, %swap3A_202], %broadcast_in_dim3A_5 {strides = array<i32>} : memref<4x20x1000xf32, #tpu.memory_space<vmem>>, vector<16xf32>,
    %swap3A_204 = arith.constant 1 : i32
    %swap3A_205 = arith.constant 12 : i32
    %swap3A_206 = arith.index_cast %swap3A_204 : i32 to index
    %swap3A_207 = arith.index_cast %swap3A_205 : i32 to index
    %swap3A_208 = arith.constant 984 : index
    %swap3A_209 = tpu.vector_load %arg5[%swap3A_206, %swap3A_207, %swap3A_208] {strides = array<i32>} : memref<4x20x1000xf32, #tpu.memory_space<vmem>>, vector<16xf32>,
    tpu.vector_store %arg5[%swap3A_206, %swap3A_207, %swap3A_208], %broadcast_in_dim3A_5 {strides = array<i32>} : memref<4x20x1000xf32, #tpu.memory_space<vmem>>, vector<16xf32>,
    %swap3A_210 = arith.constant 1 : i32
    %swap3A_211 = arith.constant 13 : i32
    %swap3A_212 = arith.index_cast %swap3A_210 : i32 to index
    %swap3A_213 = arith.index_cast %swap3A_211 : i32 to index
    %swap3A_214 = arith.constant 984 : index
    %swap3A_215 = tpu.vector_load %arg5[%swap3A_212, %swap3A_213, %swap3A_214] {strides = array<i32>} : memref<4x20x1000xf32, #tpu.memory_space<vmem>>, vector<16xf32>,
    tpu.vector_store %arg5[%swap3A_212, %swap3A_213, %swap3A_214], %broadcast_in_dim3A_5 {strides = array<i32>} : memref<4x20x1000xf32, #tpu.memory_space<vmem>>, vector<16xf32>,
    %swap3A_216 = arith.constant 1 : i32
    %swap3A_217 = arith.constant 14 : i32
    %swap3A_218 = arith.index_cast %swap3A_216 : i32 to index
    %swap3A_219 = arith.index_cast %swap3A_217 : i32 to index
    %swap3A_220 = arith.constant 984 : index
    %swap3A_221 = tpu.vector_load %arg5[%swap3A_218, %swap3A_219, %swap3A_220] {strides = array<i32>} : memref<4x20x1000xf32, #tpu.memory_space<vmem>>, vector<16xf32>,
    tpu.vector_store %arg5[%swap3A_218, %swap3A_219, %swap3A_220], %broadcast_in_dim3A_5 {strides = array<i32>} : memref<4x20x1000xf32, #tpu.memory_space<vmem>>, vector<16xf32>,
    %swap3A_222 = arith.constant 1 : i32
    %swap3A_223 = arith.constant 15 : i32
    %swap3A_224 = arith.index_cast %swap3A_222 : i32 to index
    %swap3A_225 = arith.index_cast %swap3A_223 : i32 to index
    %swap3A_226 = arith.constant 984 : index
    %swap3A_227 = tpu.vector_load %arg5[%swap3A_224, %swap3A_225, %swap3A_226] {strides = array<i32>} : memref<4x20x1000xf32, #tpu.memory_space<vmem>>, vector<16xf32>,
    tpu.vector_store %arg5[%swap3A_224, %swap3A_225, %swap3A_226], %broadcast_in_dim3A_5 {strides = array<i32>} : memref<4x20x1000xf32, #tpu.memory_space<vmem>>, vector<16xf32>,
    %swap3A_228 = arith.constant 1 : i32
    %swap3A_229 = arith.constant 16 : i32
    %swap3A_230 = arith.index_cast %swap3A_228 : i32 to index
    %swap3A_231 = arith.index_cast %swap3A_229 : i32 to index
    %swap3A_232 = arith.constant 984 : index
    %swap3A_233 = tpu.vector_load %arg5[%swap3A_230, %swap3A_231, %swap3A_232] {strides = array<i32>} : memref<4x20x1000xf32, #tpu.memory_space<vmem>>, vector<16xf32>,
    tpu.vector_store %arg5[%swap3A_230, %swap3A_231, %swap3A_232], %broadcast_in_dim3A_5 {strides = array<i32>} : memref<4x20x1000xf32, #tpu.memory_space<vmem>>, vector<16xf32>,
    %swap3A_234 = arith.constant 1 : i32
    %swap3A_235 = arith.constant 17 : i32
    %swap3A_236 = arith.index_cast %swap3A_234 : i32 to index
    %swap3A_237 = arith.index_cast %swap3A_235 : i32 to index
    %swap3A_238 = arith.constant 984 : index
    %swap3A_239 = tpu.vector_load %arg5[%swap3A_236, %swap3A_237, %swap3A_238] {strides = array<i32>} : memref<4x20x1000xf32, #tpu.memory_space<vmem>>, vector<16xf32>,
    tpu.vector_store %arg5[%swap3A_236, %swap3A_237, %swap3A_238], %broadcast_in_dim3A_5 {strides = array<i32>} : memref<4x20x1000xf32, #tpu.memory_space<vmem>>, vector<16xf32>,
    %swap3A_240 = arith.constant 1 : i32
    %swap3A_241 = arith.constant 18 : i32
    %swap3A_242 = arith.index_cast %swap3A_240 : i32 to index
    %swap3A_243 = arith.index_cast %swap3A_241 : i32 to index
    %swap3A_244 = arith.constant 984 : index
    %swap3A_245 = tpu.vector_load %arg5[%swap3A_242, %swap3A_243, %swap3A_244] {strides = array<i32>} : memref<4x20x1000xf32, #tpu.memory_space<vmem>>, vector<16xf32>,
    tpu.vector_store %arg5[%swap3A_242, %swap3A_243, %swap3A_244], %broadcast_in_dim3A_5 {strides = array<i32>} : memref<4x20x1000xf32, #tpu.memory_space<vmem>>, vector<16xf32>,
    %swap3A_246 = arith.constant 1 : i32
    %swap3A_247 = arith.constant 19 : i32
    %swap3A_248 = arith.index_cast %swap3A_246 : i32 to index
    %swap3A_249 = arith.index_cast %swap3A_247 : i32 to index
    %swap3A_250 = arith.constant 984 : index
    %swap3A_251 = tpu.vector_load %arg5[%swap3A_248, %swap3A_249, %swap3A_250] {strides = array<i32>} : memref<4x20x1000xf32, #tpu.memory_space<vmem>>, vector<16xf32>,
    tpu.vector_store %arg5[%swap3A_248, %swap3A_249, %swap3A_250], %broadcast_in_dim3A_5 {strides = array<i32>} : memref<4x20x1000xf32, #tpu.memory_space<vmem>>, vector<16xf32>,
    %swap3A_252 = arith.constant 2 : i32
    %swap3A_253 = arith.constant 0 : i32
    %swap3A_254 = arith.index_cast %swap3A_252 : i32 to index
    %swap3A_255 = arith.index_cast %swap3A_253 : i32 to index
    %swap3A_256 = arith.constant 984 : index
    %swap3A_257 = tpu.vector_load %arg5[%swap3A_254, %swap3A_255, %swap3A_256] {strides = array<i32>} : memref<4x20x1000xf32, #tpu.memory_space<vmem>>, vector<16xf32>,
    tpu.vector_store %arg5[%swap3A_254, %swap3A_255, %swap3A_256], %broadcast_in_dim3A_5 {strides = array<i32>} : memref<4x20x1000xf32, #tpu.memory_space<vmem>>, vector<16xf32>,
    %swap3A_258 = arith.constant 2 : i32
    %swap3A_259 = arith.constant 1 : i32
    %swap3A_260 = arith.index_cast %swap3A_258 : i32 to index
    %swap3A_261 = arith.index_cast %swap3A_259 : i32 to index
    %swap3A_262 = arith.constant 984 : index
    %swap3A_263 = tpu.vector_load %arg5[%swap3A_260, %swap3A_261, %swap3A_262] {strides = array<i32>} : memref<4x20x1000xf32, #tpu.memory_space<vmem>>, vector<16xf32>,
    tpu.vector_store %arg5[%swap3A_260, %swap3A_261, %swap3A_262], %broadcast_in_dim3A_5 {strides = array<i32>} : memref<4x20x1000xf32, #tpu.memory_space<vmem>>, vector<16xf32>,
    %swap3A_264 = arith.constant 2 : i32
    %swap3A_265 = arith.constant 2 : i32
    %swap3A_266 = arith.index_cast %swap3A_264 : i32 to index
    %swap3A_267 = arith.index_cast %swap3A_265 : i32 to index
    %swap3A_268 = arith.constant 984 : index
    %swap3A_269 = tpu.vector_load %arg5[%swap3A_266, %swap3A_267, %swap3A_268] {strides = array<i32>} : memref<4x20x1000xf32, #tpu.memory_space<vmem>>, vector<16xf32>,
    tpu.vector_store %arg5[%swap3A_266, %swap3A_267, %swap3A_268], %broadcast_in_dim3A_5 {strides = array<i32>} : memref<4x20x1000xf32, #tpu.memory_space<vmem>>, vector<16xf32>,
    %swap3A_270 = arith.constant 2 : i32
    %swap3A_271 = arith.constant 3 : i32
    %swap3A_272 = arith.index_cast %swap3A_270 : i32 to index
    %swap3A_273 = arith.index_cast %swap3A_271 : i32 to index
    %swap3A_274 = arith.constant 984 : index
    %swap3A_275 = tpu.vector_load %arg5[%swap3A_272, %swap3A_273, %swap3A_274] {strides = array<i32>} : memref<4x20x1000xf32, #tpu.memory_space<vmem>>, vector<16xf32>,
    tpu.vector_store %arg5[%swap3A_272, %swap3A_273, %swap3A_274], %broadcast_in_dim3A_5 {strides = array<i32>} : memref<4x20x1000xf32, #tpu.memory_space<vmem>>, vector<16xf32>,
    %swap3A_276 = arith.constant 2 : i32
    %swap3A_277 = arith.constant 4 : i32
    %swap3A_278 = arith.index_cast %swap3A_276 : i32 to index
    %swap3A_279 = arith.index_cast %swap3A_277 : i32 to index
    %swap3A_280 = arith.constant 984 : index
    %swap3A_281 = tpu.vector_load %arg5[%swap3A_278, %swap3A_279, %swap3A_280] {strides = array<i32>} : memref<4x20x1000xf32, #tpu.memory_space<vmem>>, vector<16xf32>,
    tpu.vector_store %arg5[%swap3A_278, %swap3A_279, %swap3A_280], %broadcast_in_dim3A_5 {strides = array<i32>} : memref<4x20x1000xf32, #tpu.memory_space<vmem>>, vector<16xf32>,
    %swap3A_282 = arith.constant 2 : i32
    %swap3A_283 = arith.constant 5 : i32
    %swap3A_284 = arith.index_cast %swap3A_282 : i32 to index
    %swap3A_285 = arith.index_cast %swap3A_283 : i32 to index
    %swap3A_286 = arith.constant 984 : index
    %swap3A_287 = tpu.vector_load %arg5[%swap3A_284, %swap3A_285, %swap3A_286] {strides = array<i32>} : memref<4x20x1000xf32, #tpu.memory_space<vmem>>, vector<16xf32>,
    tpu.vector_store %arg5[%swap3A_284, %swap3A_285, %swap3A_286], %broadcast_in_dim3A_5 {strides = array<i32>} : memref<4x20x1000xf32, #tpu.memory_space<vmem>>, vector<16xf32>,
    %swap3A_288 = arith.constant 2 : i32
    %swap3A_289 = arith.constant 6 : i32
    %swap3A_290 = arith.index_cast %swap3A_288 : i32 to index
    %swap3A_291 = arith.index_cast %swap3A_289 : i32 to index
    %swap3A_292 = arith.constant 984 : index
    %swap3A_293 = tpu.vector_load %arg5[%swap3A_290, %swap3A_291, %swap3A_292] {strides = array<i32>} : memref<4x20x1000xf32, #tpu.memory_space<vmem>>, vector<16xf32>,
    tpu.vector_store %arg5[%swap3A_290, %swap3A_291, %swap3A_292], %broadcast_in_dim3A_5 {strides = array<i32>} : memref<4x20x1000xf32, #tpu.memory_space<vmem>>, vector<16xf32>,
    %swap3A_294 = arith.constant 2 : i32
    %swap3A_295 = arith.constant 7 : i32
    %swap3A_296 = arith.index_cast %swap3A_294 : i32 to index
    %swap3A_297 = arith.index_cast %swap3A_295 : i32 to index
    %swap3A_298 = arith.constant 984 : index
    %swap3A_299 = tpu.vector_load %arg5[%swap3A_296, %swap3A_297, %swap3A_298] {strides = array<i32>} : memref<4x20x1000xf32, #tpu.memory_space<vmem>>, vector<16xf32>,
    tpu.vector_store %arg5[%swap3A_296, %swap3A_297, %swap3A_298], %broadcast_in_dim3A_5 {strides = array<i32>} : memref<4x20x1000xf32, #tpu.memory_space<vmem>>, vector<16xf32>,
    %swap3A_300 = arith.constant 2 : i32
    %swap3A_301 = arith.constant 8 : i32
    %swap3A_302 = arith.index_cast %swap3A_300 : i32 to index
    %swap3A_303 = arith.index_cast %swap3A_301 : i32 to index
    %swap3A_304 = arith.constant 984 : index
    %swap3A_305 = tpu.vector_load %arg5[%swap3A_302, %swap3A_303, %swap3A_304] {strides = array<i32>} : memref<4x20x1000xf32, #tpu.memory_space<vmem>>, vector<16xf32>,
    tpu.vector_store %arg5[%swap3A_302, %swap3A_303, %swap3A_304], %broadcast_in_dim3A_5 {strides = array<i32>} : memref<4x20x1000xf32, #tpu.memory_space<vmem>>, vector<16xf32>,
    %swap3A_306 = arith.constant 2 : i32
    %swap3A_307 = arith.constant 9 : i32
    %swap3A_308 = arith.index_cast %swap3A_306 : i32 to index
    %swap3A_309 = arith.index_cast %swap3A_307 : i32 to index
    %swap3A_310 = arith.constant 984 : index
    %swap3A_311 = tpu.vector_load %arg5[%swap3A_308, %swap3A_309, %swap3A_310] {strides = array<i32>} : memref<4x20x1000xf32, #tpu.memory_space<vmem>>, vector<16xf32>,
    tpu.vector_store %arg5[%swap3A_308, %swap3A_309, %swap3A_310], %broadcast_in_dim3A_5 {strides = array<i32>} : memref<4x20x1000xf32, #tpu.memory_space<vmem>>, vector<16xf32>,
    %swap3A_312 = arith.constant 2 : i32
    %swap3A_313 = arith.constant 10 : i32
    %swap3A_314 = arith.index_cast %swap3A_312 : i32 to index
    %swap3A_315 = arith.index_cast %swap3A_313 : i32 to index
    %swap3A_316 = arith.constant 984 : index
    %swap3A_317 = tpu.vector_load %arg5[%swap3A_314, %swap3A_315, %swap3A_316] {strides = array<i32>} : memref<4x20x1000xf32, #tpu.memory_space<vmem>>, vector<16xf32>,
    tpu.vector_store %arg5[%swap3A_314, %swap3A_315, %swap3A_316], %broadcast_in_dim3A_5 {strides = array<i32>} : memref<4x20x1000xf32, #tpu.memory_space<vmem>>, vector<16xf32>,
    %swap3A_318 = arith.constant 2 : i32
    %swap3A_319 = arith.constant 11 : i32
    %swap3A_320 = arith.index_cast %swap3A_318 : i32 to index
    %swap3A_321 = arith.index_cast %swap3A_319 : i32 to index
    %swap3A_322 = arith.constant 984 : index
    %swap3A_323 = tpu.vector_load %arg5[%swap3A_320, %swap3A_321, %swap3A_322] {strides = array<i32>} : memref<4x20x1000xf32, #tpu.memory_space<vmem>>, vector<16xf32>,
    tpu.vector_store %arg5[%swap3A_320, %swap3A_321, %swap3A_322], %broadcast_in_dim3A_5 {strides = array<i32>} : memref<4x20x1000xf32, #tpu.memory_space<vmem>>, vector<16xf32>,
    %swap3A_324 = arith.constant 2 : i32
    %swap3A_325 = arith.constant 12 : i32
    %swap3A_326 = arith.index_cast %swap3A_324 : i32 to index
    %swap3A_327 = arith.index_cast %swap3A_325 : i32 to index
    %swap3A_328 = arith.constant 984 : index
    %swap3A_329 = tpu.vector_load %arg5[%swap3A_326, %swap3A_327, %swap3A_328] {strides = array<i32>} : memref<4x20x1000xf32, #tpu.memory_space<vmem>>, vector<16xf32>,
    tpu.vector_store %arg5[%swap3A_326, %swap3A_327, %swap3A_328], %broadcast_in_dim3A_5 {strides = array<i32>} : memref<4x20x1000xf32, #tpu.memory_space<vmem>>, vector<16xf32>,
    %swap3A_330 = arith.constant 2 : i32
    %swap3A_331 = arith.constant 13 : i32
    %swap3A_332 = arith.index_cast %swap3A_330 : i32 to index
    %swap3A_333 = arith.index_cast %swap3A_331 : i32 to index
    %swap3A_334 = arith.constant 984 : index
    %swap3A_335 = tpu.vector_load %arg5[%swap3A_332, %swap3A_333, %swap3A_334] {strides = array<i32>} : memref<4x20x1000xf32, #tpu.memory_space<vmem>>, vector<16xf32>,
    tpu.vector_store %arg5[%swap3A_332, %swap3A_333, %swap3A_334], %broadcast_in_dim3A_5 {strides = array<i32>} : memref<4x20x1000xf32, #tpu.memory_space<vmem>>, vector<16xf32>,
    %swap3A_336 = arith.constant 2 : i32
    %swap3A_337 = arith.constant 14 : i32
    %swap3A_338 = arith.index_cast %swap3A_336 : i32 to index
    %swap3A_339 = arith.index_cast %swap3A_337 : i32 to index
    %swap3A_340 = arith.constant 984 : index
    %swap3A_341 = tpu.vector_load %arg5[%swap3A_338, %swap3A_339, %swap3A_340] {strides = array<i32>} : memref<4x20x1000xf32, #tpu.memory_space<vmem>>, vector<16xf32>,
    tpu.vector_store %arg5[%swap3A_338, %swap3A_339, %swap3A_340], %broadcast_in_dim3A_5 {strides = array<i32>} : memref<4x20x1000xf32, #tpu.memory_space<vmem>>, vector<16xf32>,
    %swap3A_342 = arith.constant 2 : i32
    %swap3A_343 = arith.constant 15 : i32
    %swap3A_344 = arith.index_cast %swap3A_342 : i32 to index
    %swap3A_345 = arith.index_cast %swap3A_343 : i32 to index
    %swap3A_346 = arith.constant 984 : index
    %swap3A_347 = tpu.vector_load %arg5[%swap3A_344, %swap3A_345, %swap3A_346] {strides = array<i32>} : memref<4x20x1000xf32, #tpu.memory_space<vmem>>, vector<16xf32>,
    tpu.vector_store %arg5[%swap3A_344, %swap3A_345, %swap3A_346], %broadcast_in_dim3A_5 {strides = array<i32>} : memref<4x20x1000xf32, #tpu.memory_space<vmem>>, vector<16xf32>,
    %swap3A_348 = arith.constant 2 : i32
    %swap3A_349 = arith.constant 16 : i32
    %swap3A_350 = arith.index_cast %swap3A_348 : i32 to index
    %swap3A_351 = arith.index_cast %swap3A_349 : i32 to index
    %swap3A_352 = arith.constant 984 : index
    %swap3A_353 = tpu.vector_load %arg5[%swap3A_350, %swap3A_351, %swap3A_352] {strides = array<i32>} : memref<4x20x1000xf32, #tpu.memory_space<vmem>>, vector<16xf32>,
    tpu.vector_store %arg5[%swap3A_350, %swap3A_351, %swap3A_352], %broadcast_in_dim3A_5 {strides = array<i32>} : memref<4x20x1000xf32, #tpu.memory_space<vmem>>, vector<16xf32>,
    %swap3A_354 = arith.constant 2 : i32
    %swap3A_355 = arith.constant 17 : i32
    %swap3A_356 = arith.index_cast %swap3A_354 : i32 to index
    %swap3A_357 = arith.index_cast %swap3A_355 : i32 to index
    %swap3A_358 = arith.constant 984 : index
    %swap3A_359 = tpu.vector_load %arg5[%swap3A_356, %swap3A_357, %swap3A_358] {strides = array<i32>} : memref<4x20x1000xf32, #tpu.memory_space<vmem>>, vector<16xf32>,
    tpu.vector_store %arg5[%swap3A_356, %swap3A_357, %swap3A_358], %broadcast_in_dim3A_5 {strides = array<i32>} : memref<4x20x1000xf32, #tpu.memory_space<vmem>>, vector<16xf32>,
    %swap3A_360 = arith.constant 2 : i32
    %swap3A_361 = arith.constant 18 : i32
    %swap3A_362 = arith.index_cast %swap3A_360 : i32 to index
    %swap3A_363 = arith.index_cast %swap3A_361 : i32 to index
    %swap3A_364 = arith.constant 984 : index
    %swap3A_365 = tpu.vector_load %arg5[%swap3A_362, %swap3A_363, %swap3A_364] {strides = array<i32>} : memref<4x20x1000xf32, #tpu.memory_space<vmem>>, vector<16xf32>,
    tpu.vector_store %arg5[%swap3A_362, %swap3A_363, %swap3A_364], %broadcast_in_dim3A_5 {strides = array<i32>} : memref<4x20x1000xf32, #tpu.memory_space<vmem>>, vector<16xf32>,
    %swap3A_366 = arith.constant 2 : i32
    %swap3A_367 = arith.constant 19 : i32
    %swap3A_368 = arith.index_cast %swap3A_366 : i32 to index
    %swap3A_369 = arith.index_cast %swap3A_367 : i32 to index
    %swap3A_370 = arith.constant 984 : index
    %swap3A_371 = tpu.vector_load %arg5[%swap3A_368, %swap3A_369, %swap3A_370] {strides = array<i32>} : memref<4x20x1000xf32, #tpu.memory_space<vmem>>, vector<16xf32>,
    tpu.vector_store %arg5[%swap3A_368, %swap3A_369, %swap3A_370], %broadcast_in_dim3A_5 {strides = array<i32>} : memref<4x20x1000xf32, #tpu.memory_space<vmem>>, vector<16xf32>,
    %swap3A_372 = arith.constant 3 : i32
    %swap3A_373 = arith.constant 0 : i32
    %swap3A_374 = arith.index_cast %swap3A_372 : i32 to index
    %swap3A_375 = arith.index_cast %swap3A_373 : i32 to index
    %swap3A_376 = arith.constant 984 : index
    %swap3A_377 = tpu.vector_load %arg5[%swap3A_374, %swap3A_375, %swap3A_376] {strides = array<i32>} : memref<4x20x1000xf32, #tpu.memory_space<vmem>>, vector<16xf32>,
    tpu.vector_store %arg5[%swap3A_374, %swap3A_375, %swap3A_376], %broadcast_in_dim3A_5 {strides = array<i32>} : memref<4x20x1000xf32, #tpu.memory_space<vmem>>, vector<16xf32>,
    %swap3A_378 = arith.constant 3 : i32
    %swap3A_379 = arith.constant 1 : i32
    %swap3A_380 = arith.index_cast %swap3A_378 : i32 to index
    %swap3A_381 = arith.index_cast %swap3A_379 : i32 to index
    %swap3A_382 = arith.constant 984 : index
    %swap3A_383 = tpu.vector_load %arg5[%swap3A_380, %swap3A_381, %swap3A_382] {strides = array<i32>} : memref<4x20x1000xf32, #tpu.memory_space<vmem>>, vector<16xf32>,
    tpu.vector_store %arg5[%swap3A_380, %swap3A_381, %swap3A_382], %broadcast_in_dim3A_5 {strides = array<i32>} : memref<4x20x1000xf32, #tpu.memory_space<vmem>>, vector<16xf32>,
    %swap3A_384 = arith.constant 3 : i32
    %swap3A_385 = arith.constant 2 : i32
    %swap3A_386 = arith.index_cast %swap3A_384 : i32 to index
    %swap3A_387 = arith.index_cast %swap3A_385 : i32 to index
    %swap3A_388 = arith.constant 984 : index
    %swap3A_389 = tpu.vector_load %arg5[%swap3A_386, %swap3A_387, %swap3A_388] {strides = array<i32>} : memref<4x20x1000xf32, #tpu.memory_space<vmem>>, vector<16xf32>,
    tpu.vector_store %arg5[%swap3A_386, %swap3A_387, %swap3A_388], %broadcast_in_dim3A_5 {strides = array<i32>} : memref<4x20x1000xf32, #tpu.memory_space<vmem>>, vector<16xf32>,
    %swap3A_390 = arith.constant 3 : i32
    %swap3A_391 = arith.constant 3 : i32
    %swap3A_392 = arith.index_cast %swap3A_390 : i32 to index
    %swap3A_393 = arith.index_cast %swap3A_391 : i32 to index
    %swap3A_394 = arith.constant 984 : index
    %swap3A_395 = tpu.vector_load %arg5[%swap3A_392, %swap3A_393, %swap3A_394] {strides = array<i32>} : memref<4x20x1000xf32, #tpu.memory_space<vmem>>, vector<16xf32>,
    tpu.vector_store %arg5[%swap3A_392, %swap3A_393, %swap3A_394], %broadcast_in_dim3A_5 {strides = array<i32>} : memref<4x20x1000xf32, #tpu.memory_space<vmem>>, vector<16xf32>,
    %swap3A_396 = arith.constant 3 : i32
    %swap3A_397 = arith.constant 4 : i32
    %swap3A_398 = arith.index_cast %swap3A_396 : i32 to index
    %swap3A_399 = arith.index_cast %swap3A_397 : i32 to index
    %swap3A_400 = arith.constant 984 : index
    %swap3A_401 = tpu.vector_load %arg5[%swap3A_398, %swap3A_399, %swap3A_400] {strides = array<i32>} : memref<4x20x1000xf32, #tpu.memory_space<vmem>>, vector<16xf32>,
    tpu.vector_store %arg5[%swap3A_398, %swap3A_399, %swap3A_400], %broadcast_in_dim3A_5 {strides = array<i32>} : memref<4x20x1000xf32, #tpu.memory_space<vmem>>, vector<16xf32>,
    %swap3A_402 = arith.constant 3 : i32
    %swap3A_403 = arith.constant 5 : i32
    %swap3A_404 = arith.index_cast %swap3A_402 : i32 to index
    %swap3A_405 = arith.index_cast %swap3A_403 : i32 to index
    %swap3A_406 = arith.constant 984 : index
    %swap3A_407 = tpu.vector_load %arg5[%swap3A_404, %swap3A_405, %swap3A_406] {strides = array<i32>} : memref<4x20x1000xf32, #tpu.memory_space<vmem>>, vector<16xf32>,
    tpu.vector_store %arg5[%swap3A_404, %swap3A_405, %swap3A_406], %broadcast_in_dim3A_5 {strides = array<i32>} : memref<4x20x1000xf32, #tpu.memory_space<vmem>>, vector<16xf32>,
    %swap3A_408 = arith.constant 3 : i32
    %swap3A_409 = arith.constant 6 : i32
    %swap3A_410 = arith.index_cast %swap3A_408 : i32 to index
    %swap3A_411 = arith.index_cast %swap3A_409 : i32 to index
    %swap3A_412 = arith.constant 984 : index
    %swap3A_413 = tpu.vector_load %arg5[%swap3A_410, %swap3A_411, %swap3A_412] {strides = array<i32>} : memref<4x20x1000xf32, #tpu.memory_space<vmem>>, vector<16xf32>,
    tpu.vector_store %arg5[%swap3A_410, %swap3A_411, %swap3A_412], %broadcast_in_dim3A_5 {strides = array<i32>} : memref<4x20x1000xf32, #tpu.memory_space<vmem>>, vector<16xf32>,
    %swap3A_414 = arith.constant 3 : i32
    %swap3A_415 = arith.constant 7 : i32
    %swap3A_416 = arith.index_cast %swap3A_414 : i32 to index
    %swap3A_417 = arith.index_cast %swap3A_415 : i32 to index
    %swap3A_418 = arith.constant 984 : index
    %swap3A_419 = tpu.vector_load %arg5[%swap3A_416, %swap3A_417, %swap3A_418] {strides = array<i32>} : memref<4x20x1000xf32, #tpu.memory_space<vmem>>, vector<16xf32>,
    tpu.vector_store %arg5[%swap3A_416, %swap3A_417, %swap3A_418], %broadcast_in_dim3A_5 {strides = array<i32>} : memref<4x20x1000xf32, #tpu.memory_space<vmem>>, vector<16xf32>,
    %swap3A_420 = arith.constant 3 : i32
    %swap3A_421 = arith.constant 8 : i32
    %swap3A_422 = arith.index_cast %swap3A_420 : i32 to index
    %swap3A_423 = arith.index_cast %swap3A_421 : i32 to index
    %swap3A_424 = arith.constant 984 : index
    %swap3A_425 = tpu.vector_load %arg5[%swap3A_422, %swap3A_423, %swap3A_424] {strides = array<i32>} : memref<4x20x1000xf32, #tpu.memory_space<vmem>>, vector<16xf32>,
    tpu.vector_store %arg5[%swap3A_422, %swap3A_423, %swap3A_424], %broadcast_in_dim3A_5 {strides = array<i32>} : memref<4x20x1000xf32, #tpu.memory_space<vmem>>, vector<16xf32>,
    %swap3A_426 = arith.constant 3 : i32
    %swap3A_427 = arith.constant 9 : i32
    %swap3A_428 = arith.index_cast %swap3A_426 : i32 to index
    %swap3A_429 = arith.index_cast %swap3A_427 : i32 to index
    %swap3A_430 = arith.constant 984 : index
    %swap3A_431 = tpu.vector_load %arg5[%swap3A_428, %swap3A_429, %swap3A_430] {strides = array<i32>} : memref<4x20x1000xf32, #tpu.memory_space<vmem>>, vector<16xf32>,
    tpu.vector_store %arg5[%swap3A_428, %swap3A_429, %swap3A_430], %broadcast_in_dim3A_5 {strides = array<i32>} : memref<4x20x1000xf32, #tpu.memory_space<vmem>>, vector<16xf32>,
    %swap3A_432 = arith.constant 3 : i32
    %swap3A_433 = arith.constant 10 : i32
    %swap3A_434 = arith.index_cast %swap3A_432 : i32 to index
    %swap3A_435 = arith.index_cast %swap3A_433 : i32 to index
    %swap3A_436 = arith.constant 984 : index
    %swap3A_437 = tpu.vector_load %arg5[%swap3A_434, %swap3A_435, %swap3A_436] {strides = array<i32>} : memref<4x20x1000xf32, #tpu.memory_space<vmem>>, vector<16xf32>,
    tpu.vector_store %arg5[%swap3A_434, %swap3A_435, %swap3A_436], %broadcast_in_dim3A_5 {strides = array<i32>} : memref<4x20x1000xf32, #tpu.memory_space<vmem>>, vector<16xf32>,
    %swap3A_438 = arith.constant 3 : i32
    %swap3A_439 = arith.constant 11 : i32
    %swap3A_440 = arith.index_cast %swap3A_438 : i32 to index
    %swap3A_441 = arith.index_cast %swap3A_439 : i32 to index
    %swap3A_442 = arith.constant 984 : index
    %swap3A_443 = tpu.vector_load %arg5[%swap3A_440, %swap3A_441, %swap3A_442] {strides = array<i32>} : memref<4x20x1000xf32, #tpu.memory_space<vmem>>, vector<16xf32>,
    tpu.vector_store %arg5[%swap3A_440, %swap3A_441, %swap3A_442], %broadcast_in_dim3A_5 {strides = array<i32>} : memref<4x20x1000xf32, #tpu.memory_space<vmem>>, vector<16xf32>,
    %swap3A_444 = arith.constant 3 : i32
    %swap3A_445 = arith.constant 12 : i32
    %swap3A_446 = arith.index_cast %swap3A_444 : i32 to index
    %swap3A_447 = arith.index_cast %swap3A_445 : i32 to index
    %swap3A_448 = arith.constant 984 : index
    %swap3A_449 = tpu.vector_load %arg5[%swap3A_446, %swap3A_447, %swap3A_448] {strides = array<i32>} : memref<4x20x1000xf32, #tpu.memory_space<vmem>>, vector<16xf32>,
    tpu.vector_store %arg5[%swap3A_446, %swap3A_447, %swap3A_448], %broadcast_in_dim3A_5 {strides = array<i32>} : memref<4x20x1000xf32, #tpu.memory_space<vmem>>, vector<16xf32>,
    %swap3A_450 = arith.constant 3 : i32
    %swap3A_451 = arith.constant 13 : i32
    %swap3A_452 = arith.index_cast %swap3A_450 : i32 to index
    %swap3A_453 = arith.index_cast %swap3A_451 : i32 to index
    %swap3A_454 = arith.constant 984 : index
    %swap3A_455 = tpu.vector_load %arg5[%swap3A_452, %swap3A_453, %swap3A_454] {strides = array<i32>} : memref<4x20x1000xf32, #tpu.memory_space<vmem>>, vector<16xf32>,
    tpu.vector_store %arg5[%swap3A_452, %swap3A_453, %swap3A_454], %broadcast_in_dim3A_5 {strides = array<i32>} : memref<4x20x1000xf32, #tpu.memory_space<vmem>>, vector<16xf32>,
    %swap3A_456 = arith.constant 3 : i32
    %swap3A_457 = arith.constant 14 : i32
    %swap3A_458 = arith.index_cast %swap3A_456 : i32 to index
    %swap3A_459 = arith.index_cast %swap3A_457 : i32 to index
    %swap3A_460 = arith.constant 984 : index
    %swap3A_461 = tpu.vector_load %arg5[%swap3A_458, %swap3A_459, %swap3A_460] {strides = array<i32>} : memref<4x20x1000xf32, #tpu.memory_space<vmem>>, vector<16xf32>,
    tpu.vector_store %arg5[%swap3A_458, %swap3A_459, %swap3A_460], %broadcast_in_dim3A_5 {strides = array<i32>} : memref<4x20x1000xf32, #tpu.memory_space<vmem>>, vector<16xf32>,
    %swap3A_462 = arith.constant 3 : i32
    %swap3A_463 = arith.constant 15 : i32
    %swap3A_464 = arith.index_cast %swap3A_462 : i32 to index
    %swap3A_465 = arith.index_cast %swap3A_463 : i32 to index
    %swap3A_466 = arith.constant 984 : index
    %swap3A_467 = tpu.vector_load %arg5[%swap3A_464, %swap3A_465, %swap3A_466] {strides = array<i32>} : memref<4x20x1000xf32, #tpu.memory_space<vmem>>, vector<16xf32>,
    tpu.vector_store %arg5[%swap3A_464, %swap3A_465, %swap3A_466], %broadcast_in_dim3A_5 {strides = array<i32>} : memref<4x20x1000xf32, #tpu.memory_space<vmem>>, vector<16xf32>,
    %swap3A_468 = arith.constant 3 : i32
    %swap3A_469 = arith.constant 16 : i32
    %swap3A_470 = arith.index_cast %swap3A_468 : i32 to index
    %swap3A_471 = arith.index_cast %swap3A_469 : i32 to index
    %swap3A_472 = arith.constant 984 : index
    %swap3A_473 = tpu.vector_load %arg5[%swap3A_470, %swap3A_471, %swap3A_472] {strides = array<i32>} : memref<4x20x1000xf32, #tpu.memory_space<vmem>>, vector<16xf32>,
    tpu.vector_store %arg5[%swap3A_470, %swap3A_471, %swap3A_472], %broadcast_in_dim3A_5 {strides = array<i32>} : memref<4x20x1000xf32, #tpu.memory_space<vmem>>, vector<16xf32>,
    %swap3A_474 = arith.constant 3 : i32
    %swap3A_475 = arith.constant 17 : i32
    %swap3A_476 = arith.index_cast %swap3A_474 : i32 to index
    %swap3A_477 = arith.index_cast %swap3A_475 : i32 to index
    %swap3A_478 = arith.constant 984 : index
    %swap3A_479 = tpu.vector_load %arg5[%swap3A_476, %swap3A_477, %swap3A_478] {strides = array<i32>} : memref<4x20x1000xf32, #tpu.memory_space<vmem>>, vector<16xf32>,
    tpu.vector_store %arg5[%swap3A_476, %swap3A_477, %swap3A_478], %broadcast_in_dim3A_5 {strides = array<i32>} : memref<4x20x1000xf32, #tpu.memory_space<vmem>>, vector<16xf32>,
    %swap3A_480 = arith.constant 3 : i32
    %swap3A_481 = arith.constant 18 : i32
    %swap3A_482 = arith.index_cast %swap3A_480 : i32 to index
    %swap3A_483 = arith.index_cast %swap3A_481 : i32 to index
    %swap3A_484 = arith.constant 984 : index
    %swap3A_485 = tpu.vector_load %arg5[%swap3A_482, %swap3A_483, %swap3A_484] {strides = array<i32>} : memref<4x20x1000xf32, #tpu.memory_space<vmem>>, vector<16xf32>,
    tpu.vector_store %arg5[%swap3A_482, %swap3A_483, %swap3A_484], %broadcast_in_dim3A_5 {strides = array<i32>} : memref<4x20x1000xf32, #tpu.memory_space<vmem>>, vector<16xf32>,
    %swap3A_486 = arith.constant 3 : i32
    %swap3A_487 = arith.constant 19 : i32
    %swap3A_488 = arith.index_cast %swap3A_486 : i32 to index
    %swap3A_489 = arith.index_cast %swap3A_487 : i32 to index
    %swap3A_490 = arith.constant 984 : index
    %swap3A_491 = tpu.vector_load %arg5[%swap3A_488, %swap3A_489, %swap3A_490] {strides = array<i32>} : memref<4x20x1000xf32, #tpu.memory_space<vmem>>, vector<16xf32>,
    tpu.vector_store %arg5[%swap3A_488, %swap3A_489, %swap3A_490], %broadcast_in_dim3A_5 {strides = array<i32>} : memref<4x20x1000xf32, #tpu.memory_space<vmem>>, vector<16xf32>,
    %add3A_492 = arith.constant 0 : i32
    %add3A_493 = vector.broadcast %add3A_492 : i32 to vector<16xi32>
    %add3A_494 = arith.addi %iota3A, %add3A_493 : vector<16xi32>
    %get3A = arith.constant 0 : index
    %get3A_495 = tpu.vector_load %arg4[%get3A] {strides = array<i32>} : memref<2560xi32, #tpu.memory_space<vmem>>, vector<16xi32>,
    %jit3A = arith.constant 20 : i32
    %div3A = vector.broadcast %jit3A : i32 to vector<16xi32>
    %div3A_496 = arith.divsi %add3A_494, %div3A : vector<16xi32>
    %sign3A = arith.constant 0 : i32
    %sign3A_497 = vector.broadcast %sign3A : i32 to vector<16xi32>
    %sign3A_498 = arith.cmpi sgt, %add3A_494, %sign3A_497 : vector<16xi32>
    %sign3A_499 = arith.extui %sign3A_498 : vector<16xi1> to vector<16xi32>
    %sign3A_500 = arith.constant 0 : i32
    %sign3A_501 = vector.broadcast %sign3A_500 : i32 to vector<16xi32>
    %sign3A_502 = arith.cmpi slt, %add3A_494, %sign3A_501 : vector<16xi32>
    %sign3A_503 = arith.extui %sign3A_502 : vector<16xi1> to vector<16xi32>
    %sign3A_504 = arith.subi %sign3A_499, %sign3A_503 : vector<16xi32>
    %sign3A_505 = arith.constant 0 : i32
    %sign3A_506 = arith.cmpi sgt, %jit3A, %sign3A_505 : i32
    %sign3A_507 = arith.extui %sign3A_506 : i1 to i32
    %sign3A_508 = arith.constant 0 : i32
    %sign3A_509 = arith.cmpi slt, %jit3A, %sign3A_508 : i32
    %sign3A_510 = arith.extui %sign3A_509 : i1 to i32
    %sign3A_511 = arith.subi %sign3A_507, %sign3A_510 : i32
    %ne3A = vector.broadcast %sign3A_511 : i32 to vector<16xi32>
    %ne3A_512 = arith.cmpi ne, %sign3A_504, %ne3A : vector<16xi32>
    %rem3A = vector.broadcast %jit3A : i32 to vector<16xi32>
    %rem3A_513 = arith.remsi %add3A_494, %rem3A : vector<16xi32>
    %ne3A_514 = arith.constant 0 : i32
    %ne3A_515 = vector.broadcast %ne3A_514 : i32 to vector<16xi32>
    %ne3A_516 = arith.cmpi ne, %rem3A_513, %ne3A_515 : vector<16xi32>
    %and3A = arith.andi %ne3A_512, %ne3A_516 : vector<16xi1>
    %sub3A = arith.constant 1 : i32
    %sub3A_517 = vector.broadcast %sub3A : i32 to vector<16xi32>
    %sub3A_518 = arith.subi %div3A_496, %sub3A_517 : vector<16xi32>
    %select_n3A = arith.select %and3A, %sub3A_518, %div3A_496 : vector<16xi1>, vector<16xi32>
    %mul3A_519 = arith.constant 20 : i32
    %mul3A_520 = vector.broadcast %mul3A_519 : i32 to vector<16xi32>
    %mul3A_521 = arith.muli %select_n3A, %mul3A_520 : vector<16xi32>
    %sub3A_522 = arith.subi %add3A_494, %mul3A_521 : vector<16xi32>
    tpu.vector_store_idx %arg5[%select_n3A, %sub3A_522, %get3A_495], %broadcast_in_dim3A_7 : memref<4x20x1000xf32, #tpu.memory_space<vmem>>[vector<16xi32>, vector<16xi32>, vector<16xi32>], vector<16xf32>,
    %add3A_523 = arith.constant 16 : i32
    %add3A_524 = vector.broadcast %add3A_523 : i32 to vector<16xi32>
    %add3A_525 = arith.addi %iota3A, %add3A_524 : vector<16xi32>
    %get3A_526 = arith.constant 16 : index
    %get3A_527 = tpu.vector_load %arg4[%get3A_526] {strides = array<i32>} : memref<2560xi32, #tpu.memory_space<vmem>>, vector<16xi32>,
    %jit3A_528 = arith.constant 20 : i32
    %div3A_529 = vector.broadcast %jit3A_528 : i32 to vector<16xi32>
    %div3A_530 = arith.divsi %add3A_525, %div3A_529 : vector<16xi32>
    %sign3A_531 = arith.constant 0 : i32
    %sign3A_532 = vector.broadcast %sign3A_531 : i32 to vector<16xi32>
    %sign3A_533 = arith.cmpi sgt, %add3A_525, %sign3A_532 : vector<16xi32>
    %sign3A_534 = arith.extui %sign3A_533 : vector<16xi1> to vector<16xi32>
    %sign3A_535 = arith.constant 0 : i32
    %sign3A_536 = vector.broadcast %sign3A_535 : i32 to vector<16xi32>
    %sign3A_537 = arith.cmpi slt, %add3A_525, %sign3A_536 : vector<16xi32>
    %sign3A_538 = arith.extui %sign3A_537 : vector<16xi1> to vector<16xi32>
    %sign3A_539 = arith.subi %sign3A_534, %sign3A_538 : vector<16xi32>
    %sign3A_540 = arith.constant 0 : i32
    %sign3A_541 = arith.cmpi sgt, %jit3A_528, %sign3A_540 : i32
    %sign3A_542 = arith.extui %sign3A_541 : i1 to i32
    %sign3A_543 = arith.constant 0 : i32
    %sign3A_544 = arith.cmpi slt, %jit3A_528, %sign3A_543 : i32
    %sign3A_545 = arith.extui %sign3A_544 : i1 to i32
    %sign3A_546 = arith.subi %sign3A_542, %sign3A_545 : i32
    %ne3A_547 = vector.broadcast %sign3A_546 : i32 to vector<16xi32>
    %ne3A_548 = arith.cmpi ne, %sign3A_539, %ne3A_547 : vector<16xi32>
    %rem3A_549 = vector.broadcast %jit3A_528 : i32 to vector<16xi32>
    %rem3A_550 = arith.remsi %add3A_525, %rem3A_549 : vector<16xi32>
    %ne3A_551 = arith.constant 0 : i32
    %ne3A_552 = vector.broadcast %ne3A_551 : i32 to vector<16xi32>
    %ne3A_553 = arith.cmpi ne, %rem3A_550, %ne3A_552 : vector<16xi32>
    %and3A_554 = arith.andi %ne3A_548, %ne3A_553 : vector<16xi1>
    %sub3A_555 = arith.constant 1 : i32
    %sub3A_556 = vector.broadcast %sub3A_555 : i32 to vector<16xi32>
    %sub3A_557 = arith.subi %div3A_530, %sub3A_556 : vector<16xi32>
    %select_n3A_558 = arith.select %and3A_554, %sub3A_557, %div3A_530 : vector<16xi1>, vector<16xi32>
    %mul3A_559 = arith.constant 20 : i32
    %mul3A_560 = vector.broadcast %mul3A_559 : i32 to vector<16xi32>
    %mul3A_561 = arith.muli %select_n3A_558, %mul3A_560 : vector<16xi32>
    %sub3A_562 = arith.subi %add3A_525, %mul3A_561 : vector<16xi32>
    tpu.vector_store_idx %arg5[%select_n3A_558, %sub3A_562, %get3A_527], %broadcast_in_dim3A_7 : memref<4x20x1000xf32, #tpu.memory_space<vmem>>[vector<16xi32>, vector<16xi32>, vector<16xi32>], vector<16xf32>,
    %add3A_563 = arith.constant 32 : i32
    %add3A_564 = vector.broadcast %add3A_563 : i32 to vector<16xi32>
    %add3A_565 = arith.addi %iota3A, %add3A_564 : vector<16xi32>
    %get3A_566 = arith.constant 32 : index
    %get3A_567 = tpu.vector_load %arg4[%get3A_566] {strides = array<i32>} : memref<2560xi32, #tpu.memory_space<vmem>>, vector<16xi32>,
    %jit3A_568 = arith.constant 20 : i32
    %div3A_569 = vector.broadcast %jit3A_568 : i32 to vector<16xi32>
    %div3A_570 = arith.divsi %add3A_565, %div3A_569 : vector<16xi32>
    %sign3A_571 = arith.constant 0 : i32
    %sign3A_572 = vector.broadcast %sign3A_571 : i32 to vector<16xi32>
    %sign3A_573 = arith.cmpi sgt, %add3A_565, %sign3A_572 : vector<16xi32>
    %sign3A_574 = arith.extui %sign3A_573 : vector<16xi1> to vector<16xi32>
    %sign3A_575 = arith.constant 0 : i32
    %sign3A_576 = vector.broadcast %sign3A_575 : i32 to vector<16xi32>
    %sign3A_577 = arith.cmpi slt, %add3A_565, %sign3A_576 : vector<16xi32>
    %sign3A_578 = arith.extui %sign3A_577 : vector<16xi1> to vector<16xi32>
    %sign3A_579 = arith.subi %sign3A_574, %sign3A_578 : vector<16xi32>
    %sign3A_580 = arith.constant 0 : i32
    %sign3A_581 = arith.cmpi sgt, %jit3A_568, %sign3A_580 : i32
    %sign3A_582 = arith.extui %sign3A_581 : i1 to i32
    %sign3A_583 = arith.constant 0 : i32
    %sign3A_584 = arith.cmpi slt, %jit3A_568, %sign3A_583 : i32
    %sign3A_585 = arith.extui %sign3A_584 : i1 to i32
    %sign3A_586 = arith.subi %sign3A_582, %sign3A_585 : i32
    %ne3A_587 = vector.broadcast %sign3A_586 : i32 to vector<16xi32>
    %ne3A_588 = arith.cmpi ne, %sign3A_579, %ne3A_587 : vector<16xi32>
    %rem3A_589 = vector.broadcast %jit3A_568 : i32 to vector<16xi32>
    %rem3A_590 = arith.remsi %add3A_565, %rem3A_589 : vector<16xi32>
    %ne3A_591 = arith.constant 0 : i32
    %ne3A_592 = vector.broadcast %ne3A_591 : i32 to vector<16xi32>
    %ne3A_593 = arith.cmpi ne, %rem3A_590, %ne3A_592 : vector<16xi32>
    %and3A_594 = arith.andi %ne3A_588, %ne3A_593 : vector<16xi1>
    %sub3A_595 = arith.constant 1 : i32
    %sub3A_596 = vector.broadcast %sub3A_595 : i32 to vector<16xi32>
    %sub3A_597 = arith.subi %div3A_570, %sub3A_596 : vector<16xi32>
    %select_n3A_598 = arith.select %and3A_594, %sub3A_597, %div3A_570 : vector<16xi1>, vector<16xi32>
    %mul3A_599 = arith.constant 20 : i32
    %mul3A_600 = vector.broadcast %mul3A_599 : i32 to vector<16xi32>
    %mul3A_601 = arith.muli %select_n3A_598, %mul3A_600 : vector<16xi32>
    %sub3A_602 = arith.subi %add3A_565, %mul3A_601 : vector<16xi32>
    tpu.vector_store_idx %arg5[%select_n3A_598, %sub3A_602, %get3A_567], %broadcast_in_dim3A_7 : memref<4x20x1000xf32, #tpu.memory_space<vmem>>[vector<16xi32>, vector<16xi32>, vector<16xi32>], vector<16xf32>,
    %add3A_603 = arith.constant 48 : i32
    %add3A_604 = vector.broadcast %add3A_603 : i32 to vector<16xi32>
    %add3A_605 = arith.addi %iota3A, %add3A_604 : vector<16xi32>
    %get3A_606 = arith.constant 48 : index
    %get3A_607 = tpu.vector_load %arg4[%get3A_606] {strides = array<i32>} : memref<2560xi32, #tpu.memory_space<vmem>>, vector<16xi32>,
    %jit3A_608 = arith.constant 20 : i32
    %div3A_609 = vector.broadcast %jit3A_608 : i32 to vector<16xi32>
    %div3A_610 = arith.divsi %add3A_605, %div3A_609 : vector<16xi32>
    %sign3A_611 = arith.constant 0 : i32
    %sign3A_612 = vector.broadcast %sign3A_611 : i32 to vector<16xi32>
    %sign3A_613 = arith.cmpi sgt, %add3A_605, %sign3A_612 : vector<16xi32>
    %sign3A_614 = arith.extui %sign3A_613 : vector<16xi1> to vector<16xi32>
    %sign3A_615 = arith.constant 0 : i32
    %sign3A_616 = vector.broadcast %sign3A_615 : i32 to vector<16xi32>
    %sign3A_617 = arith.cmpi slt, %add3A_605, %sign3A_616 : vector<16xi32>
    %sign3A_618 = arith.extui %sign3A_617 : vector<16xi1> to vector<16xi32>
    %sign3A_619 = arith.subi %sign3A_614, %sign3A_618 : vector<16xi32>
    %sign3A_620 = arith.constant 0 : i32
    %sign3A_621 = arith.cmpi sgt, %jit3A_608, %sign3A_620 : i32
    %sign3A_622 = arith.extui %sign3A_621 : i1 to i32
    %sign3A_623 = arith.constant 0 : i32
    %sign3A_624 = arith.cmpi slt, %jit3A_608, %sign3A_623 : i32
    %sign3A_625 = arith.extui %sign3A_624 : i1 to i32
    %sign3A_626 = arith.subi %sign3A_622, %sign3A_625 : i32
    %ne3A_627 = vector.broadcast %sign3A_626 : i32 to vector<16xi32>
    %ne3A_628 = arith.cmpi ne, %sign3A_619, %ne3A_627 : vector<16xi32>
    %rem3A_629 = vector.broadcast %jit3A_608 : i32 to vector<16xi32>
    %rem3A_630 = arith.remsi %add3A_605, %rem3A_629 : vector<16xi32>
    %ne3A_631 = arith.constant 0 : i32
    %ne3A_632 = vector.broadcast %ne3A_631 : i32 to vector<16xi32>
    %ne3A_633 = arith.cmpi ne, %rem3A_630, %ne3A_632 : vector<16xi32>
    %and3A_634 = arith.andi %ne3A_628, %ne3A_633 : vector<16xi1>
    %sub3A_635 = arith.constant 1 : i32
    %sub3A_636 = vector.broadcast %sub3A_635 : i32 to vector<16xi32>
    %sub3A_637 = arith.subi %div3A_610, %sub3A_636 : vector<16xi32>
    %select_n3A_638 = arith.select %and3A_634, %sub3A_637, %div3A_610 : vector<16xi1>, vector<16xi32>
    %mul3A_639 = arith.constant 20 : i32
    %mul3A_640 = vector.broadcast %mul3A_639 : i32 to vector<16xi32>
    %mul3A_641 = arith.muli %select_n3A_638, %mul3A_640 : vector<16xi32>
    %sub3A_642 = arith.subi %add3A_605, %mul3A_641 : vector<16xi32>
    tpu.vector_store_idx %arg5[%select_n3A_638, %sub3A_642, %get3A_607], %broadcast_in_dim3A_7 : memref<4x20x1000xf32, #tpu.memory_space<vmem>>[vector<16xi32>, vector<16xi32>, vector<16xi32>], vector<16xf32>,
    %add3A_643 = arith.constant 64 : i32
    %add3A_644 = vector.broadcast %add3A_643 : i32 to vector<16xi32>
    %add3A_645 = arith.addi %iota3A, %add3A_644 : vector<16xi32>
    %get3A_646 = arith.constant 64 : index
    %get3A_647 = tpu.vector_load %arg4[%get3A_646] {strides = array<i32>} : memref<2560xi32, #tpu.memory_space<vmem>>, vector<16xi32>,
    %jit3A_648 = arith.constant 20 : i32
    %div3A_649 = vector.broadcast %jit3A_648 : i32 to vector<16xi32>
    %div3A_650 = arith.divsi %add3A_645, %div3A_649 : vector<16xi32>
    %sign3A_651 = arith.constant 0 : i32
    %sign3A_652 = vector.broadcast %sign3A_651 : i32 to vector<16xi32>
    %sign3A_653 = arith.cmpi sgt, %add3A_645, %sign3A_652 : vector<16xi32>
    %sign3A_654 = arith.extui %sign3A_653 : vector<16xi1> to vector<16xi32>
    %sign3A_655 = arith.constant 0 : i32
    %sign3A_656 = vector.broadcast %sign3A_655 : i32 to vector<16xi32>
    %sign3A_657 = arith.cmpi slt, %add3A_645, %sign3A_656 : vector<16xi32>
    %sign3A_658 = arith.extui %sign3A_657 : vector<16xi1> to vector<16xi32>
    %sign3A_659 = arith.subi %sign3A_654, %sign3A_658 : vector<16xi32>
    %sign3A_660 = arith.constant 0 : i32
    %sign3A_661 = arith.cmpi sgt, %jit3A_648, %sign3A_660 : i32
    %sign3A_662 = arith.extui %sign3A_661 : i1 to i32
    %sign3A_663 = arith.constant 0 : i32
    %sign3A_664 = arith.cmpi slt, %jit3A_648, %sign3A_663 : i32
    %sign3A_665 = arith.extui %sign3A_664 : i1 to i32
    %sign3A_666 = arith.subi %sign3A_662, %sign3A_665 : i32
    %ne3A_667 = vector.broadcast %sign3A_666 : i32 to vector<16xi32>
    %ne3A_668 = arith.cmpi ne, %sign3A_659, %ne3A_667 : vector<16xi32>
    %rem3A_669 = vector.broadcast %jit3A_648 : i32 to vector<16xi32>
    %rem3A_670 = arith.remsi %add3A_645, %rem3A_669 : vector<16xi32>
    %ne3A_671 = arith.constant 0 : i32
    %ne3A_672 = vector.broadcast %ne3A_671 : i32 to vector<16xi32>
    %ne3A_673 = arith.cmpi ne, %rem3A_670, %ne3A_672 : vector<16xi32>
    %and3A_674 = arith.andi %ne3A_668, %ne3A_673 : vector<16xi1>
    %sub3A_675 = arith.constant 1 : i32
    %sub3A_676 = vector.broadcast %sub3A_675 : i32 to vector<16xi32>
    %sub3A_677 = arith.subi %div3A_650, %sub3A_676 : vector<16xi32>
    %select_n3A_678 = arith.select %and3A_674, %sub3A_677, %div3A_650 : vector<16xi1>, vector<16xi32>
    %mul3A_679 = arith.constant 20 : i32
    %mul3A_680 = vector.broadcast %mul3A_679 : i32 to vector<16xi32>
    %mul3A_681 = arith.muli %select_n3A_678, %mul3A_680 : vector<16xi32>
    %sub3A_682 = arith.subi %add3A_645, %mul3A_681 : vector<16xi32>
    tpu.vector_store_idx %arg5[%select_n3A_678, %sub3A_682, %get3A_647], %broadcast_in_dim3A_7 : memref<4x20x1000xf32, #tpu.memory_space<vmem>>[vector<16xi32>, vector<16xi32>, vector<16xi32>], vector<16xf32>,
    %add3A_683 = arith.constant 0 : i32
    %add3A_684 = arith.addi %mul3A_2, %add3A_683 : i32
    %dma_start3A = arith.constant 0 : i32
    %dma_start3A_685 = arith.constant 0 : i32
    %dma_start3A_686 = tpu.memref_slice %arg3[%add3A_684, %dma_start3A, %dma_start3A_685] : memref<4096x20x1000xf32, #tpu.memory_space<hbm>> -> memref<4x20x1000xf32, #tpu.memory_space<hbm>>
    %dma_start3A_687 = arith.constant 0 : i32
    %dma_start3A_688 = arith.constant 0 : i32
    %dma_start3A_689 = tpu.memref_slice %arg3[%add3A_684, %dma_start3A_687, %dma_start3A_688] : memref<4096x20x1000xf32, #tpu.memory_space<hbm>> -> memref<4x20x1000xf32, #tpu.memory_space<hbm>>
    tpu.enqueue_dma source(%arg5 : memref<4x20x1000xf32, #tpu.memory_space<vmem>>) target(%dma_start3A_689 : memref<4x20x1000xf32, #tpu.memory_space<hbm>>) target_semaphore(%arg6 : memref<!tpu.dma_semaphore, #tpu.memory_space<semaphore_mem>>)
    %scan3A_690 = arith.constant 0 : i32
    %scan3A_691 = arith.constant 1 : i32
    %scan3A_692 = arith.constant 31 : i32
    %scan3A_693 = arith.addi %scan3A_691, %scan3A_692 : i32
    %scan3A_694 = arith.constant 1 : i32
    scf.for %scan3A_703 = %scan3A_691 to %scan3A_693 step %scan3A_694  : i32 {
      %mul3A_704 = arith.constant 4 : i32
      %mul3A_705 = arith.muli %scan3A_703, %mul3A_704 : i32
      %add3A_706 = arith.addi %mul3A_2, %mul3A_705 : i32
      %dma_wait3A_707 = arith.constant 0 : i32
      %dma_wait3A_708 = arith.constant 0 : i32
      %dma_wait3A_709 = tpu.memref_slice %arg3[%add3A_706, %dma_wait3A_707, %dma_wait3A_708] : memref<4096x20x1000xf32, #tpu.memory_space<hbm>> -> memref<4x20x1000xf32, #tpu.memory_space<hbm>>
      %dma_wait3A_710 = arith.constant 0 : i32
      %dma_wait3A_711 = arith.constant 0 : i32
      %dma_wait3A_712 = tpu.memref_slice %arg3[%add3A_706, %dma_wait3A_710, %dma_wait3A_711] : memref<4096x20x1000xf32, #tpu.memory_space<hbm>> -> memref<4x20x1000xf32, #tpu.memory_space<hbm>>
      tpu.wait_dma2 semaphore(%arg6 : memref<!tpu.dma_semaphore, #tpu.memory_space<semaphore_mem>>) src(%arg5 : memref<4x20x1000xf32, #tpu.memory_space<vmem>>) dst(%dma_wait3A_712 : memref<4x20x1000xf32, #tpu.memory_space<hbm>>)
      %sub3A_713 = arith.constant 1 : i32
      %sub3A_714 = arith.subi %scan3A_703, %sub3A_713 : i32
      %mul3A_715 = arith.constant 80 : i32
      %mul3A_716 = arith.muli %sub3A_714, %mul3A_715 : i32
      %add3A_717 = arith.constant 0 : i32
      %add3A_718 = vector.broadcast %add3A_717 : i32 to vector<16xi32>
      %add3A_719 = arith.addi %iota3A, %add3A_718 : vector<16xi32>
      %add3A_720 = arith.constant 0 : i32
      %add3A_721 = arith.addi %mul3A_716, %add3A_720 : i32
      %get3A_722 = arith.index_cast %add3A_721 : i32 to index
      %get3A_723 = tpu.vector_load %arg4[%get3A_722] {strides = array<i32>} : memref<2560xi32, #tpu.memory_space<vmem>>, vector<16xi32>,
      %jit3A_724 = arith.constant 20 : i32
      %div3A_725 = vector.broadcast %jit3A_724 : i32 to vector<16xi32>
      %div3A_726 = arith.divsi %add3A_719, %div3A_725 : vector<16xi32>
      %sign3A_727 = arith.constant 0 : i32
      %sign3A_728 = vector.broadcast %sign3A_727 : i32 to vector<16xi32>
      %sign3A_729 = arith.cmpi sgt, %add3A_719, %sign3A_728 : vector<16xi32>
      %sign3A_730 = arith.extui %sign3A_729 : vector<16xi1> to vector<16xi32>
      %sign3A_731 = arith.constant 0 : i32
      %sign3A_732 = vector.broadcast %sign3A_731 : i32 to vector<16xi32>
      %sign3A_733 = arith.cmpi slt, %add3A_719, %sign3A_732 : vector<16xi32>
      %sign3A_734 = arith.extui %sign3A_733 : vector<16xi1> to vector<16xi32>
      %sign3A_735 = arith.subi %sign3A_730, %sign3A_734 : vector<16xi32>
      %sign3A_736 = arith.constant 0 : i32
      %sign3A_737 = arith.cmpi sgt, %jit3A_724, %sign3A_736 : i32
      %sign3A_738 = arith.extui %sign3A_737 : i1 to i32
      %sign3A_739 = arith.constant 0 : i32
      %sign3A_740 = arith.cmpi slt, %jit3A_724, %sign3A_739 : i32
      %sign3A_741 = arith.extui %sign3A_740 : i1 to i32
      %sign3A_742 = arith.subi %sign3A_738, %sign3A_741 : i32
      %ne3A_743 = vector.broadcast %sign3A_742 : i32 to vector<16xi32>
      %ne3A_744 = arith.cmpi ne, %sign3A_735, %ne3A_743 : vector<16xi32>
      %rem3A_745 = vector.broadcast %jit3A_724 : i32 to vector<16xi32>
      %rem3A_746 = arith.remsi %add3A_719, %rem3A_745 : vector<16xi32>
      %ne3A_747 = arith.constant 0 : i32
      %ne3A_748 = vector.broadcast %ne3A_747 : i32 to vector<16xi32>
      %ne3A_749 = arith.cmpi ne, %rem3A_746, %ne3A_748 : vector<16xi32>
      %and3A_750 = arith.andi %ne3A_744, %ne3A_749 : vector<16xi1>
      %sub3A_751 = arith.constant 1 : i32
      %sub3A_752 = vector.broadcast %sub3A_751 : i32 to vector<16xi32>
      %sub3A_753 = arith.subi %div3A_726, %sub3A_752 : vector<16xi32>
      %select_n3A_754 = arith.select %and3A_750, %sub3A_753, %div3A_726 : vector<16xi1>, vector<16xi32>
      %mul3A_755 = arith.constant 20 : i32
      %mul3A_756 = vector.broadcast %mul3A_755 : i32 to vector<16xi32>
      %mul3A_757 = arith.muli %select_n3A_754, %mul3A_756 : vector<16xi32>
      %sub3A_758 = arith.subi %add3A_719, %mul3A_757 : vector<16xi32>
      tpu.vector_store_idx %arg5[%select_n3A_754, %sub3A_758, %get3A_723], %broadcast_in_dim3A_5 : memref<4x20x1000xf32, #tpu.memory_space<vmem>>[vector<16xi32>, vector<16xi32>, vector<16xi32>], vector<16xf32>,
      %add3A_759 = arith.constant 16 : i32
      %add3A_760 = vector.broadcast %add3A_759 : i32 to vector<16xi32>
      %add3A_761 = arith.addi %iota3A, %add3A_760 : vector<16xi32>
      %add3A_762 = arith.constant 16 : i32
      %add3A_763 = arith.addi %mul3A_716, %add3A_762 : i32
      %get3A_764 = arith.index_cast %add3A_763 : i32 to index
      %get3A_765 = tpu.vector_load %arg4[%get3A_764] {strides = array<i32>} : memref<2560xi32, #tpu.memory_space<vmem>>, vector<16xi32>,
      %jit3A_766 = arith.constant 20 : i32
      %div3A_767 = vector.broadcast %jit3A_766 : i32 to vector<16xi32>
      %div3A_768 = arith.divsi %add3A_761, %div3A_767 : vector<16xi32>
      %sign3A_769 = arith.constant 0 : i32
      %sign3A_770 = vector.broadcast %sign3A_769 : i32 to vector<16xi32>
      %sign3A_771 = arith.cmpi sgt, %add3A_761, %sign3A_770 : vector<16xi32>
      %sign3A_772 = arith.extui %sign3A_771 : vector<16xi1> to vector<16xi32>
      %sign3A_773 = arith.constant 0 : i32
      %sign3A_774 = vector.broadcast %sign3A_773 : i32 to vector<16xi32>
      %sign3A_775 = arith.cmpi slt, %add3A_761, %sign3A_774 : vector<16xi32>
      %sign3A_776 = arith.extui %sign3A_775 : vector<16xi1> to vector<16xi32>
      %sign3A_777 = arith.subi %sign3A_772, %sign3A_776 : vector<16xi32>
      %sign3A_778 = arith.constant 0 : i32
      %sign3A_779 = arith.cmpi sgt, %jit3A_766, %sign3A_778 : i32
      %sign3A_780 = arith.extui %sign3A_779 : i1 to i32
      %sign3A_781 = arith.constant 0 : i32
      %sign3A_782 = arith.cmpi slt, %jit3A_766, %sign3A_781 : i32
      %sign3A_783 = arith.extui %sign3A_782 : i1 to i32
      %sign3A_784 = arith.subi %sign3A_780, %sign3A_783 : i32
      %ne3A_785 = vector.broadcast %sign3A_784 : i32 to vector<16xi32>
      %ne3A_786 = arith.cmpi ne, %sign3A_777, %ne3A_785 : vector<16xi32>
      %rem3A_787 = vector.broadcast %jit3A_766 : i32 to vector<16xi32>
      %rem3A_788 = arith.remsi %add3A_761, %rem3A_787 : vector<16xi32>
      %ne3A_789 = arith.constant 0 : i32
      %ne3A_790 = vector.broadcast %ne3A_789 : i32 to vector<16xi32>
      %ne3A_791 = arith.cmpi ne, %rem3A_788, %ne3A_790 : vector<16xi32>
      %and3A_792 = arith.andi %ne3A_786, %ne3A_791 : vector<16xi1>
      %sub3A_793 = arith.constant 1 : i32
      %sub3A_794 = vector.broadcast %sub3A_793 : i32 to vector<16xi32>
      %sub3A_795 = arith.subi %div3A_768, %sub3A_794 : vector<16xi32>
      %select_n3A_796 = arith.select %and3A_792, %sub3A_795, %div3A_768 : vector<16xi1>, vector<16xi32>
      %mul3A_797 = arith.constant 20 : i32
      %mul3A_798 = vector.broadcast %mul3A_797 : i32 to vector<16xi32>
      %mul3A_799 = arith.muli %select_n3A_796, %mul3A_798 : vector<16xi32>
      %sub3A_800 = arith.subi %add3A_761, %mul3A_799 : vector<16xi32>
      tpu.vector_store_idx %arg5[%select_n3A_796, %sub3A_800, %get3A_765], %broadcast_in_dim3A_5 : memref<4x20x1000xf32, #tpu.memory_space<vmem>>[vector<16xi32>, vector<16xi32>, vector<16xi32>], vector<16xf32>,
      %add3A_801 = arith.constant 32 : i32
      %add3A_802 = vector.broadcast %add3A_801 : i32 to vector<16xi32>
      %add3A_803 = arith.addi %iota3A, %add3A_802 : vector<16xi32>
      %add3A_804 = arith.constant 32 : i32
      %add3A_805 = arith.addi %mul3A_716, %add3A_804 : i32
      %get3A_806 = arith.index_cast %add3A_805 : i32 to index
      %get3A_807 = tpu.vector_load %arg4[%get3A_806] {strides = array<i32>} : memref<2560xi32, #tpu.memory_space<vmem>>, vector<16xi32>,
      %jit3A_808 = arith.constant 20 : i32
      %div3A_809 = vector.broadcast %jit3A_808 : i32 to vector<16xi32>
      %div3A_810 = arith.divsi %add3A_803, %div3A_809 : vector<16xi32>
      %sign3A_811 = arith.constant 0 : i32
      %sign3A_812 = vector.broadcast %sign3A_811 : i32 to vector<16xi32>
      %sign3A_813 = arith.cmpi sgt, %add3A_803, %sign3A_812 : vector<16xi32>
      %sign3A_814 = arith.extui %sign3A_813 : vector<16xi1> to vector<16xi32>
      %sign3A_815 = arith.constant 0 : i32
      %sign3A_816 = vector.broadcast %sign3A_815 : i32 to vector<16xi32>
      %sign3A_817 = arith.cmpi slt, %add3A_803, %sign3A_816 : vector<16xi32>
      %sign3A_818 = arith.extui %sign3A_817 : vector<16xi1> to vector<16xi32>
      %sign3A_819 = arith.subi %sign3A_814, %sign3A_818 : vector<16xi32>
      %sign3A_820 = arith.constant 0 : i32
      %sign3A_821 = arith.cmpi sgt, %jit3A_808, %sign3A_820 : i32
      %sign3A_822 = arith.extui %sign3A_821 : i1 to i32
      %sign3A_823 = arith.constant 0 : i32
      %sign3A_824 = arith.cmpi slt, %jit3A_808, %sign3A_823 : i32
      %sign3A_825 = arith.extui %sign3A_824 : i1 to i32
      %sign3A_826 = arith.subi %sign3A_822, %sign3A_825 : i32
      %ne3A_827 = vector.broadcast %sign3A_826 : i32 to vector<16xi32>
      %ne3A_828 = arith.cmpi ne, %sign3A_819, %ne3A_827 : vector<16xi32>
      %rem3A_829 = vector.broadcast %jit3A_808 : i32 to vector<16xi32>
      %rem3A_830 = arith.remsi %add3A_803, %rem3A_829 : vector<16xi32>
      %ne3A_831 = arith.constant 0 : i32
      %ne3A_832 = vector.broadcast %ne3A_831 : i32 to vector<16xi32>
      %ne3A_833 = arith.cmpi ne, %rem3A_830, %ne3A_832 : vector<16xi32>
      %and3A_834 = arith.andi %ne3A_828, %ne3A_833 : vector<16xi1>
      %sub3A_835 = arith.constant 1 : i32
      %sub3A_836 = vector.broadcast %sub3A_835 : i32 to vector<16xi32>
      %sub3A_837 = arith.subi %div3A_810, %sub3A_836 : vector<16xi32>
      %select_n3A_838 = arith.select %and3A_834, %sub3A_837, %div3A_810 : vector<16xi1>, vector<16xi32>
      %mul3A_839 = arith.constant 20 : i32
      %mul3A_840 = vector.broadcast %mul3A_839 : i32 to vector<16xi32>
      %mul3A_841 = arith.muli %select_n3A_838, %mul3A_840 : vector<16xi32>
      %sub3A_842 = arith.subi %add3A_803, %mul3A_841 : vector<16xi32>
      tpu.vector_store_idx %arg5[%select_n3A_838, %sub3A_842, %get3A_807], %broadcast_in_dim3A_5 : memref<4x20x1000xf32, #tpu.memory_space<vmem>>[vector<16xi32>, vector<16xi32>, vector<16xi32>], vector<16xf32>,
      %add3A_843 = arith.constant 48 : i32
      %add3A_844 = vector.broadcast %add3A_843 : i32 to vector<16xi32>
      %add3A_845 = arith.addi %iota3A, %add3A_844 : vector<16xi32>
      %add3A_846 = arith.constant 48 : i32
      %add3A_847 = arith.addi %mul3A_716, %add3A_846 : i32
      %get3A_848 = arith.index_cast %add3A_847 : i32 to index
      %get3A_849 = tpu.vector_load %arg4[%get3A_848] {strides = array<i32>} : memref<2560xi32, #tpu.memory_space<vmem>>, vector<16xi32>,
      %jit3A_850 = arith.constant 20 : i32
      %div3A_851 = vector.broadcast %jit3A_850 : i32 to vector<16xi32>
      %div3A_852 = arith.divsi %add3A_845, %div3A_851 : vector<16xi32>
      %sign3A_853 = arith.constant 0 : i32
      %sign3A_854 = vector.broadcast %sign3A_853 : i32 to vector<16xi32>
      %sign3A_855 = arith.cmpi sgt, %add3A_845, %sign3A_854 : vector<16xi32>
      %sign3A_856 = arith.extui %sign3A_855 : vector<16xi1> to vector<16xi32>
      %sign3A_857 = arith.constant 0 : i32
      %sign3A_858 = vector.broadcast %sign3A_857 : i32 to vector<16xi32>
      %sign3A_859 = arith.cmpi slt, %add3A_845, %sign3A_858 : vector<16xi32>
      %sign3A_860 = arith.extui %sign3A_859 : vector<16xi1> to vector<16xi32>
      %sign3A_861 = arith.subi %sign3A_856, %sign3A_860 : vector<16xi32>
      %sign3A_862 = arith.constant 0 : i32
      %sign3A_863 = arith.cmpi sgt, %jit3A_850, %sign3A_862 : i32
      %sign3A_864 = arith.extui %sign3A_863 : i1 to i32
      %sign3A_865 = arith.constant 0 : i32
      %sign3A_866 = arith.cmpi slt, %jit3A_850, %sign3A_865 : i32
      %sign3A_867 = arith.extui %sign3A_866 : i1 to i32
      %sign3A_868 = arith.subi %sign3A_864, %sign3A_867 : i32
      %ne3A_869 = vector.broadcast %sign3A_868 : i32 to vector<16xi32>
      %ne3A_870 = arith.cmpi ne, %sign3A_861, %ne3A_869 : vector<16xi32>
      %rem3A_871 = vector.broadcast %jit3A_850 : i32 to vector<16xi32>
      %rem3A_872 = arith.remsi %add3A_845, %rem3A_871 : vector<16xi32>
      %ne3A_873 = arith.constant 0 : i32
      %ne3A_874 = vector.broadcast %ne3A_873 : i32 to vector<16xi32>
      %ne3A_875 = arith.cmpi ne, %rem3A_872, %ne3A_874 : vector<16xi32>
      %and3A_876 = arith.andi %ne3A_870, %ne3A_875 : vector<16xi1>
      %sub3A_877 = arith.constant 1 : i32
      %sub3A_878 = vector.broadcast %sub3A_877 : i32 to vector<16xi32>
      %sub3A_879 = arith.subi %div3A_852, %sub3A_878 : vector<16xi32>
      %select_n3A_880 = arith.select %and3A_876, %sub3A_879, %div3A_852 : vector<16xi1>, vector<16xi32>
      %mul3A_881 = arith.constant 20 : i32
      %mul3A_882 = vector.broadcast %mul3A_881 : i32 to vector<16xi32>
      %mul3A_883 = arith.muli %select_n3A_880, %mul3A_882 : vector<16xi32>
      %sub3A_884 = arith.subi %add3A_845, %mul3A_883 : vector<16xi32>
      tpu.vector_store_idx %arg5[%select_n3A_880, %sub3A_884, %get3A_849], %broadcast_in_dim3A_5 : memref<4x20x1000xf32, #tpu.memory_space<vmem>>[vector<16xi32>, vector<16xi32>, vector<16xi32>], vector<16xf32>,
      %add3A_885 = arith.constant 64 : i32
      %add3A_886 = vector.broadcast %add3A_885 : i32 to vector<16xi32>
      %add3A_887 = arith.addi %iota3A, %add3A_886 : vector<16xi32>
      %add3A_888 = arith.constant 64 : i32
      %add3A_889 = arith.addi %mul3A_716, %add3A_888 : i32
      %get3A_890 = arith.index_cast %add3A_889 : i32 to index
      %get3A_891 = tpu.vector_load %arg4[%get3A_890] {strides = array<i32>} : memref<2560xi32, #tpu.memory_space<vmem>>, vector<16xi32>,
      %jit3A_892 = arith.constant 20 : i32
      %div3A_893 = vector.broadcast %jit3A_892 : i32 to vector<16xi32>
      %div3A_894 = arith.divsi %add3A_887, %div3A_893 : vector<16xi32>
      %sign3A_895 = arith.constant 0 : i32
      %sign3A_896 = vector.broadcast %sign3A_895 : i32 to vector<16xi32>
      %sign3A_897 = arith.cmpi sgt, %add3A_887, %sign3A_896 : vector<16xi32>
      %sign3A_898 = arith.extui %sign3A_897 : vector<16xi1> to vector<16xi32>
      %sign3A_899 = arith.constant 0 : i32
      %sign3A_900 = vector.broadcast %sign3A_899 : i32 to vector<16xi32>
      %sign3A_901 = arith.cmpi slt, %add3A_887, %sign3A_900 : vector<16xi32>
      %sign3A_902 = arith.extui %sign3A_901 : vector<16xi1> to vector<16xi32>
      %sign3A_903 = arith.subi %sign3A_898, %sign3A_902 : vector<16xi32>
      %sign3A_904 = arith.constant 0 : i32
      %sign3A_905 = arith.cmpi sgt, %jit3A_892, %sign3A_904 : i32
      %sign3A_906 = arith.extui %sign3A_905 : i1 to i32
      %sign3A_907 = arith.constant 0 : i32
      %sign3A_908 = arith.cmpi slt, %jit3A_892, %sign3A_907 : i32
      %sign3A_909 = arith.extui %sign3A_908 : i1 to i32
      %sign3A_910 = arith.subi %sign3A_906, %sign3A_909 : i32
      %ne3A_911 = vector.broadcast %sign3A_910 : i32 to vector<16xi32>
      %ne3A_912 = arith.cmpi ne, %sign3A_903, %ne3A_911 : vector<16xi32>
      %rem3A_913 = vector.broadcast %jit3A_892 : i32 to vector<16xi32>
      %rem3A_914 = arith.remsi %add3A_887, %rem3A_913 : vector<16xi32>
      %ne3A_915 = arith.constant 0 : i32
      %ne3A_916 = vector.broadcast %ne3A_915 : i32 to vector<16xi32>
      %ne3A_917 = arith.cmpi ne, %rem3A_914, %ne3A_916 : vector<16xi32>
      %and3A_918 = arith.andi %ne3A_912, %ne3A_917 : vector<16xi1>
      %sub3A_919 = arith.constant 1 : i32
      %sub3A_920 = vector.broadcast %sub3A_919 : i32 to vector<16xi32>
      %sub3A_921 = arith.subi %div3A_894, %sub3A_920 : vector<16xi32>
      %select_n3A_922 = arith.select %and3A_918, %sub3A_921, %div3A_894 : vector<16xi1>, vector<16xi32>
      %mul3A_923 = arith.constant 20 : i32
      %mul3A_924 = vector.broadcast %mul3A_923 : i32 to vector<16xi32>
      %mul3A_925 = arith.muli %select_n3A_922, %mul3A_924 : vector<16xi32>
      %sub3A_926 = arith.subi %add3A_887, %mul3A_925 : vector<16xi32>
      tpu.vector_store_idx %arg5[%select_n3A_922, %sub3A_926, %get3A_891], %broadcast_in_dim3A_5 : memref<4x20x1000xf32, #tpu.memory_space<vmem>>[vector<16xi32>, vector<16xi32>, vector<16xi32>], vector<16xf32>,
      %mul3A_927 = arith.constant 80 : i32
      %mul3A_928 = arith.muli %scan3A_703, %mul3A_927 : i32
      %add3A_929 = arith.constant 0 : i32
      %add3A_930 = vector.broadcast %add3A_929 : i32 to vector<16xi32>
      %add3A_931 = arith.addi %iota3A, %add3A_930 : vector<16xi32>
      %add3A_932 = arith.constant 0 : i32
      %add3A_933 = arith.addi %mul3A_928, %add3A_932 : i32
      %get3A_934 = arith.index_cast %add3A_933 : i32 to index
      %get3A_935 = tpu.vector_load %arg4[%get3A_934] {strides = array<i32>} : memref<2560xi32, #tpu.memory_space<vmem>>, vector<16xi32>,
      %jit3A_936 = arith.constant 20 : i32
      %div3A_937 = vector.broadcast %jit3A_936 : i32 to vector<16xi32>
      %div3A_938 = arith.divsi %add3A_931, %div3A_937 : vector<16xi32>
      %sign3A_939 = arith.constant 0 : i32
      %sign3A_940 = vector.broadcast %sign3A_939 : i32 to vector<16xi32>
      %sign3A_941 = arith.cmpi sgt, %add3A_931, %sign3A_940 : vector<16xi32>
      %sign3A_942 = arith.extui %sign3A_941 : vector<16xi1> to vector<16xi32>
      %sign3A_943 = arith.constant 0 : i32
      %sign3A_944 = vector.broadcast %sign3A_943 : i32 to vector<16xi32>
      %sign3A_945 = arith.cmpi slt, %add3A_931, %sign3A_944 : vector<16xi32>
      %sign3A_946 = arith.extui %sign3A_945 : vector<16xi1> to vector<16xi32>
      %sign3A_947 = arith.subi %sign3A_942, %sign3A_946 : vector<16xi32>
      %sign3A_948 = arith.constant 0 : i32
      %sign3A_949 = arith.cmpi sgt, %jit3A_936, %sign3A_948 : i32
      %sign3A_950 = arith.extui %sign3A_949 : i1 to i32
      %sign3A_951 = arith.constant 0 : i32
      %sign3A_952 = arith.cmpi slt, %jit3A_936, %sign3A_951 : i32
      %sign3A_953 = arith.extui %sign3A_952 : i1 to i32
      %sign3A_954 = arith.subi %sign3A_950, %sign3A_953 : i32
      %ne3A_955 = vector.broadcast %sign3A_954 : i32 to vector<16xi32>
      %ne3A_956 = arith.cmpi ne, %sign3A_947, %ne3A_955 : vector<16xi32>
      %rem3A_957 = vector.broadcast %jit3A_936 : i32 to vector<16xi32>
      %rem3A_958 = arith.remsi %add3A_931, %rem3A_957 : vector<16xi32>
      %ne3A_959 = arith.constant 0 : i32
      %ne3A_960 = vector.broadcast %ne3A_959 : i32 to vector<16xi32>
      %ne3A_961 = arith.cmpi ne, %rem3A_958, %ne3A_960 : vector<16xi32>
      %and3A_962 = arith.andi %ne3A_956, %ne3A_961 : vector<16xi1>
      %sub3A_963 = arith.constant 1 : i32
      %sub3A_964 = vector.broadcast %sub3A_963 : i32 to vector<16xi32>
      %sub3A_965 = arith.subi %div3A_938, %sub3A_964 : vector<16xi32>
      %select_n3A_966 = arith.select %and3A_962, %sub3A_965, %div3A_938 : vector<16xi1>, vector<16xi32>
      %mul3A_967 = arith.constant 20 : i32
      %mul3A_968 = vector.broadcast %mul3A_967 : i32 to vector<16xi32>
      %mul3A_969 = arith.muli %select_n3A_966, %mul3A_968 : vector<16xi32>
      %sub3A_970 = arith.subi %add3A_931, %mul3A_969 : vector<16xi32>
      tpu.vector_store_idx %arg5[%select_n3A_966, %sub3A_970, %get3A_935], %broadcast_in_dim3A_7 : memref<4x20x1000xf32, #tpu.memory_space<vmem>>[vector<16xi32>, vector<16xi32>, vector<16xi32>], vector<16xf32>,
      %add3A_971 = arith.constant 16 : i32
      %add3A_972 = vector.broadcast %add3A_971 : i32 to vector<16xi32>
      %add3A_973 = arith.addi %iota3A, %add3A_972 : vector<16xi32>
      %add3A_974 = arith.constant 16 : i32
      %add3A_975 = arith.addi %mul3A_928, %add3A_974 : i32
      %get3A_976 = arith.index_cast %add3A_975 : i32 to index
      %get3A_977 = tpu.vector_load %arg4[%get3A_976] {strides = array<i32>} : memref<2560xi32, #tpu.memory_space<vmem>>, vector<16xi32>,
      %jit3A_978 = arith.constant 20 : i32
      %div3A_979 = vector.broadcast %jit3A_978 : i32 to vector<16xi32>
      %div3A_980 = arith.divsi %add3A_973, %div3A_979 : vector<16xi32>
      %sign3A_981 = arith.constant 0 : i32
      %sign3A_982 = vector.broadcast %sign3A_981 : i32 to vector<16xi32>
      %sign3A_983 = arith.cmpi sgt, %add3A_973, %sign3A_982 : vector<16xi32>
      %sign3A_984 = arith.extui %sign3A_983 : vector<16xi1> to vector<16xi32>
      %sign3A_985 = arith.constant 0 : i32
      %sign3A_986 = vector.broadcast %sign3A_985 : i32 to vector<16xi32>
      %sign3A_987 = arith.cmpi slt, %add3A_973, %sign3A_986 : vector<16xi32>
      %sign3A_988 = arith.extui %sign3A_987 : vector<16xi1> to vector<16xi32>
      %sign3A_989 = arith.subi %sign3A_984, %sign3A_988 : vector<16xi32>
      %sign3A_990 = arith.constant 0 : i32
      %sign3A_991 = arith.cmpi sgt, %jit3A_978, %sign3A_990 : i32
      %sign3A_992 = arith.extui %sign3A_991 : i1 to i32
      %sign3A_993 = arith.constant 0 : i32
      %sign3A_994 = arith.cmpi slt, %jit3A_978, %sign3A_993 : i32
      %sign3A_995 = arith.extui %sign3A_994 : i1 to i32
      %sign3A_996 = arith.subi %sign3A_992, %sign3A_995 : i32
      %ne3A_997 = vector.broadcast %sign3A_996 : i32 to vector<16xi32>
      %ne3A_998 = arith.cmpi ne, %sign3A_989, %ne3A_997 : vector<16xi32>
      %rem3A_999 = vector.broadcast %jit3A_978 : i32 to vector<16xi32>
      %rem3A_1000 = arith.remsi %add3A_973, %rem3A_999 : vector<16xi32>
      %ne3A_1001 = arith.constant 0 : i32
      %ne3A_1002 = vector.broadcast %ne3A_1001 : i32 to vector<16xi32>
      %ne3A_1003 = arith.cmpi ne, %rem3A_1000, %ne3A_1002 : vector<16xi32>
      %and3A_1004 = arith.andi %ne3A_998, %ne3A_1003 : vector<16xi1>
      %sub3A_1005 = arith.constant 1 : i32
      %sub3A_1006 = vector.broadcast %sub3A_1005 : i32 to vector<16xi32>
      %sub3A_1007 = arith.subi %div3A_980, %sub3A_1006 : vector<16xi32>
      %select_n3A_1008 = arith.select %and3A_1004, %sub3A_1007, %div3A_980 : vector<16xi1>, vector<16xi32>
      %mul3A_1009 = arith.constant 20 : i32
      %mul3A_1010 = vector.broadcast %mul3A_1009 : i32 to vector<16xi32>
      %mul3A_1011 = arith.muli %select_n3A_1008, %mul3A_1010 : vector<16xi32>
      %sub3A_1012 = arith.subi %add3A_973, %mul3A_1011 : vector<16xi32>
      tpu.vector_store_idx %arg5[%select_n3A_1008, %sub3A_1012, %get3A_977], %broadcast_in_dim3A_7 : memref<4x20x1000xf32, #tpu.memory_space<vmem>>[vector<16xi32>, vector<16xi32>, vector<16xi32>], vector<16xf32>,
      %add3A_1013 = arith.constant 32 : i32
      %add3A_1014 = vector.broadcast %add3A_1013 : i32 to vector<16xi32>
      %add3A_1015 = arith.addi %iota3A, %add3A_1014 : vector<16xi32>
      %add3A_1016 = arith.constant 32 : i32
      %add3A_1017 = arith.addi %mul3A_928, %add3A_1016 : i32
      %get3A_1018 = arith.index_cast %add3A_1017 : i32 to index
      %get3A_1019 = tpu.vector_load %arg4[%get3A_1018] {strides = array<i32>} : memref<2560xi32, #tpu.memory_space<vmem>>, vector<16xi32>,
      %jit3A_1020 = arith.constant 20 : i32
      %div3A_1021 = vector.broadcast %jit3A_1020 : i32 to vector<16xi32>
      %div3A_1022 = arith.divsi %add3A_1015, %div3A_1021 : vector<16xi32>
      %sign3A_1023 = arith.constant 0 : i32
      %sign3A_1024 = vector.broadcast %sign3A_1023 : i32 to vector<16xi32>
      %sign3A_1025 = arith.cmpi sgt, %add3A_1015, %sign3A_1024 : vector<16xi32>
      %sign3A_1026 = arith.extui %sign3A_1025 : vector<16xi1> to vector<16xi32>
      %sign3A_1027 = arith.constant 0 : i32
      %sign3A_1028 = vector.broadcast %sign3A_1027 : i32 to vector<16xi32>
      %sign3A_1029 = arith.cmpi slt, %add3A_1015, %sign3A_1028 : vector<16xi32>
      %sign3A_1030 = arith.extui %sign3A_1029 : vector<16xi1> to vector<16xi32>
      %sign3A_1031 = arith.subi %sign3A_1026, %sign3A_1030 : vector<16xi32>
      %sign3A_1032 = arith.constant 0 : i32
      %sign3A_1033 = arith.cmpi sgt, %jit3A_1020, %sign3A_1032 : i32
      %sign3A_1034 = arith.extui %sign3A_1033 : i1 to i32
      %sign3A_1035 = arith.constant 0 : i32
      %sign3A_1036 = arith.cmpi slt, %jit3A_1020, %sign3A_1035 : i32
      %sign3A_1037 = arith.extui %sign3A_1036 : i1 to i32
      %sign3A_1038 = arith.subi %sign3A_1034, %sign3A_1037 : i32
      %ne3A_1039 = vector.broadcast %sign3A_1038 : i32 to vector<16xi32>
      %ne3A_1040 = arith.cmpi ne, %sign3A_1031, %ne3A_1039 : vector<16xi32>
      %rem3A_1041 = vector.broadcast %jit3A_1020 : i32 to vector<16xi32>
      %rem3A_1042 = arith.remsi %add3A_1015, %rem3A_1041 : vector<16xi32>
      %ne3A_1043 = arith.constant 0 : i32
      %ne3A_1044 = vector.broadcast %ne3A_1043 : i32 to vector<16xi32>
      %ne3A_1045 = arith.cmpi ne, %rem3A_1042, %ne3A_1044 : vector<16xi32>
      %and3A_1046 = arith.andi %ne3A_1040, %ne3A_1045 : vector<16xi1>
      %sub3A_1047 = arith.constant 1 : i32
      %sub3A_1048 = vector.broadcast %sub3A_1047 : i32 to vector<16xi32>
      %sub3A_1049 = arith.subi %div3A_1022, %sub3A_1048 : vector<16xi32>
      %select_n3A_1050 = arith.select %and3A_1046, %sub3A_1049, %div3A_1022 : vector<16xi1>, vector<16xi32>
      %mul3A_1051 = arith.constant 20 : i32
      %mul3A_1052 = vector.broadcast %mul3A_1051 : i32 to vector<16xi32>
      %mul3A_1053 = arith.muli %select_n3A_1050, %mul3A_1052 : vector<16xi32>
      %sub3A_1054 = arith.subi %add3A_1015, %mul3A_1053 : vector<16xi32>
      tpu.vector_store_idx %arg5[%select_n3A_1050, %sub3A_1054, %get3A_1019], %broadcast_in_dim3A_7 : memref<4x20x1000xf32, #tpu.memory_space<vmem>>[vector<16xi32>, vector<16xi32>, vector<16xi32>], vector<16xf32>,
      %add3A_1055 = arith.constant 48 : i32
      %add3A_1056 = vector.broadcast %add3A_1055 : i32 to vector<16xi32>
      %add3A_1057 = arith.addi %iota3A, %add3A_1056 : vector<16xi32>
      %add3A_1058 = arith.constant 48 : i32
      %add3A_1059 = arith.addi %mul3A_928, %add3A_1058 : i32
      %get3A_1060 = arith.index_cast %add3A_1059 : i32 to index
      %get3A_1061 = tpu.vector_load %arg4[%get3A_1060] {strides = array<i32>} : memref<2560xi32, #tpu.memory_space<vmem>>, vector<16xi32>,
      %jit3A_1062 = arith.constant 20 : i32
      %div3A_1063 = vector.broadcast %jit3A_1062 : i32 to vector<16xi32>
      %div3A_1064 = arith.divsi %add3A_1057, %div3A_1063 : vector<16xi32>
      %sign3A_1065 = arith.constant 0 : i32
      %sign3A_1066 = vector.broadcast %sign3A_1065 : i32 to vector<16xi32>
      %sign3A_1067 = arith.cmpi sgt, %add3A_1057, %sign3A_1066 : vector<16xi32>
      %sign3A_1068 = arith.extui %sign3A_1067 : vector<16xi1> to vector<16xi32>
      %sign3A_1069 = arith.constant 0 : i32
      %sign3A_1070 = vector.broadcast %sign3A_1069 : i32 to vector<16xi32>
      %sign3A_1071 = arith.cmpi slt, %add3A_1057, %sign3A_1070 : vector<16xi32>
      %sign3A_1072 = arith.extui %sign3A_1071 : vector<16xi1> to vector<16xi32>
      %sign3A_1073 = arith.subi %sign3A_1068, %sign3A_1072 : vector<16xi32>
      %sign3A_1074 = arith.constant 0 : i32
      %sign3A_1075 = arith.cmpi sgt, %jit3A_1062, %sign3A_1074 : i32
      %sign3A_1076 = arith.extui %sign3A_1075 : i1 to i32
      %sign3A_1077 = arith.constant 0 : i32
      %sign3A_1078 = arith.cmpi slt, %jit3A_1062, %sign3A_1077 : i32
      %sign3A_1079 = arith.extui %sign3A_1078 : i1 to i32
      %sign3A_1080 = arith.subi %sign3A_1076, %sign3A_1079 : i32
      %ne3A_1081 = vector.broadcast %sign3A_1080 : i32 to vector<16xi32>
      %ne3A_1082 = arith.cmpi ne, %sign3A_1073, %ne3A_1081 : vector<16xi32>
      %rem3A_1083 = vector.broadcast %jit3A_1062 : i32 to vector<16xi32>
      %rem3A_1084 = arith.remsi %add3A_1057, %rem3A_1083 : vector<16xi32>
      %ne3A_1085 = arith.constant 0 : i32
      %ne3A_1086 = vector.broadcast %ne3A_1085 : i32 to vector<16xi32>
      %ne3A_1087 = arith.cmpi ne, %rem3A_1084, %ne3A_1086 : vector<16xi32>
      %and3A_1088 = arith.andi %ne3A_1082, %ne3A_1087 : vector<16xi1>
      %sub3A_1089 = arith.constant 1 : i32
      %sub3A_1090 = vector.broadcast %sub3A_1089 : i32 to vector<16xi32>
      %sub3A_1091 = arith.subi %div3A_1064, %sub3A_1090 : vector<16xi32>
      %select_n3A_1092 = arith.select %and3A_1088, %sub3A_1091, %div3A_1064 : vector<16xi1>, vector<16xi32>
      %mul3A_1093 = arith.constant 20 : i32
      %mul3A_1094 = vector.broadcast %mul3A_1093 : i32 to vector<16xi32>
      %mul3A_1095 = arith.muli %select_n3A_1092, %mul3A_1094 : vector<16xi32>
      %sub3A_1096 = arith.subi %add3A_1057, %mul3A_1095 : vector<16xi32>
      tpu.vector_store_idx %arg5[%select_n3A_1092, %sub3A_1096, %get3A_1061], %broadcast_in_dim3A_7 : memref<4x20x1000xf32, #tpu.memory_space<vmem>>[vector<16xi32>, vector<16xi32>, vector<16xi32>], vector<16xf32>,
      %add3A_1097 = arith.constant 64 : i32
      %add3A_1098 = vector.broadcast %add3A_1097 : i32 to vector<16xi32>
      %add3A_1099 = arith.addi %iota3A, %add3A_1098 : vector<16xi32>
      %add3A_1100 = arith.constant 64 : i32
      %add3A_1101 = arith.addi %mul3A_928, %add3A_1100 : i32
      %get3A_1102 = arith.index_cast %add3A_1101 : i32 to index
      %get3A_1103 = tpu.vector_load %arg4[%get3A_1102] {strides = array<i32>} : memref<2560xi32, #tpu.memory_space<vmem>>, vector<16xi32>,
      %jit3A_1104 = arith.constant 20 : i32
      %div3A_1105 = vector.broadcast %jit3A_1104 : i32 to vector<16xi32>
      %div3A_1106 = arith.divsi %add3A_1099, %div3A_1105 : vector<16xi32>
      %sign3A_1107 = arith.constant 0 : i32
      %sign3A_1108 = vector.broadcast %sign3A_1107 : i32 to vector<16xi32>
      %sign3A_1109 = arith.cmpi sgt, %add3A_1099, %sign3A_1108 : vector<16xi32>
      %sign3A_1110 = arith.extui %sign3A_1109 : vector<16xi1> to vector<16xi32>
      %sign3A_1111 = arith.constant 0 : i32
      %sign3A_1112 = vector.broadcast %sign3A_1111 : i32 to vector<16xi32>
      %sign3A_1113 = arith.cmpi slt, %add3A_1099, %sign3A_1112 : vector<16xi32>
      %sign3A_1114 = arith.extui %sign3A_1113 : vector<16xi1> to vector<16xi32>
      %sign3A_1115 = arith.subi %sign3A_1110, %sign3A_1114 : vector<16xi32>
      %sign3A_1116 = arith.constant 0 : i32
      %sign3A_1117 = arith.cmpi sgt, %jit3A_1104, %sign3A_1116 : i32
      %sign3A_1118 = arith.extui %sign3A_1117 : i1 to i32
      %sign3A_1119 = arith.constant 0 : i32
      %sign3A_1120 = arith.cmpi slt, %jit3A_1104, %sign3A_1119 : i32
      %sign3A_1121 = arith.extui %sign3A_1120 : i1 to i32
      %sign3A_1122 = arith.subi %sign3A_1118, %sign3A_1121 : i32
      %ne3A_1123 = vector.broadcast %sign3A_1122 : i32 to vector<16xi32>
      %ne3A_1124 = arith.cmpi ne, %sign3A_1115, %ne3A_1123 : vector<16xi32>
      %rem3A_1125 = vector.broadcast %jit3A_1104 : i32 to vector<16xi32>
      %rem3A_1126 = arith.remsi %add3A_1099, %rem3A_1125 : vector<16xi32>
      %ne3A_1127 = arith.constant 0 : i32
      %ne3A_1128 = vector.broadcast %ne3A_1127 : i32 to vector<16xi32>
      %ne3A_1129 = arith.cmpi ne, %rem3A_1126, %ne3A_1128 : vector<16xi32>
      %and3A_1130 = arith.andi %ne3A_1124, %ne3A_1129 : vector<16xi1>
      %sub3A_1131 = arith.constant 1 : i32
      %sub3A_1132 = vector.broadcast %sub3A_1131 : i32 to vector<16xi32>
      %sub3A_1133 = arith.subi %div3A_1106, %sub3A_1132 : vector<16xi32>
      %select_n3A_1134 = arith.select %and3A_1130, %sub3A_1133, %div3A_1106 : vector<16xi1>, vector<16xi32>
      %mul3A_1135 = arith.constant 20 : i32
      %mul3A_1136 = vector.broadcast %mul3A_1135 : i32 to vector<16xi32>
      %mul3A_1137 = arith.muli %select_n3A_1134, %mul3A_1136 : vector<16xi32>
      %sub3A_1138 = arith.subi %add3A_1099, %mul3A_1137 : vector<16xi32>
      tpu.vector_store_idx %arg5[%select_n3A_1134, %sub3A_1138, %get3A_1103], %broadcast_in_dim3A_7 : memref<4x20x1000xf32, #tpu.memory_space<vmem>>[vector<16xi32>, vector<16xi32>, vector<16xi32>], vector<16xf32>,
      %mul3A_1139 = arith.constant 4 : i32
      %mul3A_1140 = arith.muli %scan3A_703, %mul3A_1139 : i32
      %add3A_1141 = arith.addi %mul3A_2, %mul3A_1140 : i32
      %dma_start3A_1142 = arith.constant 0 : i32
      %dma_start3A_1143 = arith.constant 0 : i32
      %dma_start3A_1144 = tpu.memref_slice %arg3[%add3A_1141, %dma_start3A_1142, %dma_start3A_1143] : memref<4096x20x1000xf32, #tpu.memory_space<hbm>> -> memref<4x20x1000xf32, #tpu.memory_space<hbm>>
      %dma_start3A_1145 = arith.constant 0 : i32
      %dma_start3A_1146 = arith.constant 0 : i32
      %dma_start3A_1147 = tpu.memref_slice %arg3[%add3A_1141, %dma_start3A_1145, %dma_start3A_1146] : memref<4096x20x1000xf32, #tpu.memory_space<hbm>> -> memref<4x20x1000xf32, #tpu.memory_space<hbm>>
      tpu.enqueue_dma source(%arg5 : memref<4x20x1000xf32, #tpu.memory_space<vmem>>) target(%dma_start3A_1147 : memref<4x20x1000xf32, #tpu.memory_space<hbm>>) target_semaphore(%arg6 : memref<!tpu.dma_semaphore, #tpu.memory_space<semaphore_mem>>)
    }
    %scan3A_695 = arith.constant 31 : i32
    %add3A_696 = arith.constant 0 : i32
    %add3A_697 = arith.addi %mul3A_2, %add3A_696 : i32
    %dma_wait3A = arith.constant 0 : i32
    %dma_wait3A_698 = arith.constant 0 : i32
    %dma_wait3A_699 = tpu.memref_slice %arg3[%add3A_697, %dma_wait3A, %dma_wait3A_698] : memref<4096x20x1000xf32, #tpu.memory_space<hbm>> -> memref<4x20x1000xf32, #tpu.memory_space<hbm>>
    %dma_wait3A_700 = arith.constant 0 : i32
    %dma_wait3A_701 = arith.constant 0 : i32
    %dma_wait3A_702 = tpu.memref_slice %arg3[%add3A_697, %dma_wait3A_700, %dma_wait3A_701] : memref<4096x20x1000xf32, #tpu.memory_space<hbm>> -> memref<4x20x1000xf32, #tpu.memory_space<hbm>>
    tpu.wait_dma2 semaphore(%arg6 : memref<!tpu.dma_semaphore, #tpu.memory_space<semaphore_mem>>) src(%arg5 : memref<4x20x1000xf32, #tpu.memory_space<vmem>>) dst(%dma_wait3A_702 : memref<4x20x1000xf32, #tpu.memory_space<hbm>>)
    return
  }
}

</mosaic_0001>

<sc_bundles>
// kernel: kernel.3.cloned.1.call-start
scs
__scs_entry_jumppad:
0x0: {  	(pc) =	sbr.rel $0x88, $3  }
0x1: {  	(tag) =	ssettag $0x0;
	lr =	simm.s32 $0x1  }
0x2: {  	[smem:$0x3FA0] =	sst lr;
	_ =	strace $0xD0000000  }
0x3: {  	_ = 	snop  }
0x4: {  	_ = 	snop  }
0x5: {  	_ = 	snop  }
0x6: {  	_ = 	snop  }
0x7: {  	_ = 	snop  }
__scs_overlays_trampoline_lowered:
0x8: {  	[smem:$0x3FAF] =	sst s0  }
0x9: {  	[smem:$0x3FB0] =	sst s1  }
0xa: {  	[smem:$0x3FB1] =	sst s2  }
0xb: {  	[smem:$0x3FB2] =	sst s3  }
0xc: {  	[smem:$0x3FB3] =	sst s4  }
0xd: {  	[smem:$0x3FB4] =	sst s5  }
0xe: {  	[smem:$0x3FB5] =	sst s6  }
0xf: {  	[smem:$0x3FB6] =	sst s7  }
0x10: {  	[smem:$0x3FB7] =	sst s8  }
0x11: {  	[smem:$0x3FB8] =	sst s9;
	s0 =	simm.s32 @!p0 $0x0  }
0x12: {  	s1 =	sld [smem:$0x3F9E];
	s0 =	simm.s32 @p0 $0x1  }
0x13: {  	[smem:$0x3FB9] =	sst s0;
	s0 =	simm.s32 @!p1 $0x0  }
0x14: {  	s2 =	sld [smem:$0x3F9D];
	s0 =	simm.s32 @p1 $0x1  }
0x15: {  	[smem:$0x3FBA] =	sst s0;
	s0 =	simm.s32 @!p2 $0x0  }
0x16: {  	s3 =	sld [smem:$0x3FDB];
	s0 =	simm.s32 @p2 $0x1  }
0x17: {  	s4 =	simm.s32 $0x1BF5;
	[smem:$0x3FBC] =	sst s0  }
0x18: {  	s0 =	sld [smem:$0x3F9F];
	_ =	swait.ge [sflag:s4], $0x0  }
0x19: {  	s7 =	sld [smem:$0x3FA0]  }
0x1a: {  	s8 =	sadd.s32 $0xFFFFE003, lr  }
0x1b: {  	s9 =	sadd.s32 $0xFFFFFEF7, lr;
	s5 =	simm.s32 $0xFFFFFFFF;
	p2 =	slt.u32 s8, $0xFFFFF086  }
0x1c: {  	p1 =	slt.u32 s9, $0xF7A;
	s5 =	simm.s32 @!p2 $0x0  }
0x1d: {  	s5 =	simm.s32 @p1 $0x1;
	p0 =	seq.s32 s7, s2  }
0x1e: {  	s7 =	smul.u32 @!p0 $0xF7A, s2;
	p2 =	seq.s32 @!p0 s5, $0x0  }
0x1f: {  	s9 =	smul.u32 $0xF7A, s1;
	s8 =	simm.s32 @!p0 $0x1BF5;
	p2 =	por !p2, p0  }
0x20: {  	[sflag:s8] =	ssyncset.s32 @!p0 $0xFFFFF086;
	s6 =	sadd.s32 @!p0 s3, s7;
	s7 =	simm.s32 @!p0 $0x108  }
0x21: {  	s3 =	sadd.s32 s3, s9;
	s6 =	sadd.s32 @!p0 $0x88, s6;
	s7 =	simm.s32 @p2 $0x1082  }
0x22: {  	[simem:s7], [sflag:s8] =	dma.local @!p0 [hbm:s6], $0xF7A  }
0x23: {  	s9 =	sor.u32 $0xD0000000, s2;
	s6 =	simm.s32 $0x108;
	_ =	swait.ge @!p0 [sflag:s8], $0x0  }
0x24: {  	s3 =	sadd.s32 $0x88, s3;
	s6 =	simm.s32 @!p1 $0x1082;
	[sflag:s4] =	ssyncset.s32 $0xFFFFF086  }
0x25: {  	[simem:s6], [sflag:s4] =	dma.local [hbm:s3], $0xF7A  }
0x26: {  	[smem:$0x3FA0] =	sst s1;
	(tag) =	ssettag s2;
	_ =	strace s9  }
0x27: {  	s1 =	sld [smem:$0x3FB0]  }
0x28: {  	s2 =	sld [smem:$0x3FB1]  }
0x29: {  	s4 =	sld [smem:$0x3FB3]  }
0x2a: {  	p0 =	seq.s32 s5, $0x0;
	s5 =	sld [smem:$0x3FB4]  }
0x2b: {  	s6 =	sld [smem:$0x3FB5]  }
0x2c: {  	s7 =	sld [smem:$0x3FB6]  }
0x2d: {  	s3 =	simm.s32 $0x108;
	s8 =	sld [smem:$0x3FB7]  }
0x2e: {  	s3 =	simm.s32 @!p0 $0x1082;
	s9 =	sld [smem:$0x3FB8]  }
0x2f: {  	lr =	sadd.s32 s0, s3;
	s0 =	sld [smem:$0x3FAF]  }
0x30: {  	s3 =	sld [smem:$0x3FB2]  }
0x31: {  	[smem:$0x3FBB] =	sst s10  }
0x32: {  	s10 =	sld [smem:$0x3FB9];
	_ =	sdelay $0x3  }
0x33: {  	p0 =	seq.s32 s10, $0x1;
	s10 =	sld [smem:$0x3FBB];
	_ =	sdelay $0x3  }
0x34: {  	[smem:$0x3FBB] =	sst s10  }
0x35: {  	s10 =	sld [smem:$0x3FBA];
	_ =	sdelay $0x3  }
0x36: {  	p1 =	seq.s32 s10, $0x1;
	s10 =	sld [smem:$0x3FBB];
	_ =	sdelay $0x3  }
0x37: {  	[smem:$0x3FBB] =	sst s10  }
0x38: {  	s10 =	sld [smem:$0x3FBC]  }
0x39: {  	_ = 	snop;
	(pc) =	sbr.ind lr, $3  }
0x3a: {  	_ = 	snop  }
0x3b: {  	_ = 	snop  }
0x3c: {  	p2 =	seq.s32 s10, $0x1;
	s10 =	sld [smem:$0x3FBB]  }
0x3d: {  	_ =	shalt  }
0x3e: {  	_ =	shalt  }
0x3f: {  	_ =	shalt  }
0x40: {  	_ =	shalt  }
0x41: {  	_ =	shalt  }
0x42: {  	_ =	shalt  }
0x43: {  	_ =	shalt  }
0x44: {  	_ =	shalt  }
0x45: {  	_ =	shalt  }
0x46: {  	_ =	shalt  }
0x47: {  	_ =	shalt  }
0x48: {  	_ =	shalt  }
0x49: {  	_ =	shalt  }
0x4a: {  	_ =	shalt  }
0x4b: {  	_ =	shalt  }
0x4c: {  	_ =	shalt  }
0x4d: {  	_ =	shalt  }
0x4e: {  	_ =	shalt  }
0x4f: {  	_ =	shalt  }
0x50: {  	_ =	shalt  }
0x51: {  	_ =	shalt  }
0x52: {  	_ =	shalt  }
0x53: {  	_ =	shalt  }
0x54: {  	_ =	shalt  }
0x55: {  	_ =	shalt  }
0x56: {  	_ =	shalt  }
0x57: {  	_ =	shalt  }
0x58: {  	_ =	shalt  }
0x59: {  	_ =	shalt  }
0x5a: {  	_ =	shalt  }
0x5b: {  	_ =	shalt  }
0x5c: {  	_ =	shalt  }
0x5d: {  	_ =	shalt  }
0x5e: {  	_ =	shalt  }
0x5f: {  	_ =	shalt  }
0x60: {  	_ =	shalt  }
0x61: {  	_ =	shalt  }
0x62: {  	_ =	shalt  }
0x63: {  	_ =	shalt  }
0x64: {  	_ =	shalt  }
0x65: {  	_ =	shalt  }
0x66: {  	_ =	shalt  }
0x67: {  	_ =	shalt  }
0x68: {  	_ =	shalt  }
0x69: {  	_ =	shalt  }
0x6a: {  	_ =	shalt  }
0x6b: {  	_ =	shalt  }
0x6c: {  	_ =	shalt  }
0x6d: {  	_ =	shalt  }
0x6e: {  	_ =	shalt  }
0x6f: {  	_ =	shalt  }
0x70: {  	_ =	shalt  }
0x71: {  	_ =	shalt  }
0x72: {  	_ =	shalt  }
0x73: {  	_ =	shalt  }
0x74: {  	_ =	shalt  }
0x75: {  	_ =	shalt  }
0x76: {  	_ =	shalt  }
0x77: {  	_ =	shalt  }
0x78: {  	_ =	shalt  }
0x79: {  	_ =	shalt  }
0x7a: {  	_ =	shalt  }
0x7b: {  	_ =	shalt  }
0x7c: {  	_ =	shalt  }
0x7d: {  	_ =	shalt  }
0x7e: {  	_ =	shalt  }
0x7f: {  	_ =	shalt  }
0x80: {  	_ =	shalt  }
0x81: {  	_ =	shalt  }
0x82: {  	_ =	shalt  }
0x83: {  	_ =	shalt  }
0x84: {  	_ =	shalt  }
0x85: {  	_ =	shalt  }
0x86: {  	_ =	shalt  }
0x87: {  	_ =	shalt  }
.Lfunc_end0:
.L_simem_size_0:
called_computation_lowered:
.L_overlay_start_0:
0x88: {  	s2 =	sld [smem:$0x3FD9]  }
0x89: {  	s3 =	sld [smem:$0x3FFE];
	_ =	sdelay $0x1  }
0x8a: {  	s1 =	srdreg.scid  }
0x8b: {  	s0 =	sand.u32 $0x1, s1  }
0x8c: {  	s17 =	sshll.u32 s0, $0xA;
	s2 =	sadd.s32 s3, s2  }
0x8d: {  	s2 =	sadd.s32 s2, s17  }
0x8e: {  	[smem:$0x3FC7] =	sst s2  }
0x8f: {  	_ = 	snop  }
0x90: {  	s2 =	sld [smem:$0x3FD0];
	(tm) =	ssettm $0x1  }
0x91: {  	s18 =	sld [smem:$0x3FFB];
	_ =	sdelay $0x3  }
0x92: {  	_ =	strace s18  }
0x93: {  	s3 =	sld [smem:$0x3FFC];
	_ =	sdelay $0x3  }
0x94: {  	_ =	strace s3  }
0x95: {  	s3 =	sld [smem:$0x3FFD];
	_ =	sdelay $0x3  }
0x96: {  	_ =	strace s3  }
0x97: {  	_ =	strace $0x8FFFFFFF  }
0x98: {  	s19 =	sld [smem:$0x3FDB];
	_ =	sdelay $0x1  }
0x99: {  	s4 =	simm.s32 $_scs_section_size  }
0x9a: {  	s5 =	simm.s32 $_size__tile_overlayer_lowered;
	s6 =	simm.s32 $_tile_overlayer_lowered  }
0x9b: {  	s22 =	simm.s32 $0x1BFF;
	s21 =	sshll.u32 s6, $0x1;
	s3 =	sadd.s32 s4, s19  }
0x9c: {  	s7 =	simm.s32 $0x0;
	s20 =	sshll.u32 s5, $0x1;
	s5 =	sadd.s32 s21, s3  }
0x9d: {  	[timem:s7], [sflag:s22] =	dma.local [hbm:s5], s20  }
0x9e: {  	_ =	swait.ge [sflag:s22], s20  }
0x9f: {  	s4 =	ssub.s32 $0x0, s20;
	[sflag:s22] =	ssyncset.done $0x0  }
0xa0: {  	[sflag:s22] =	ssyncadd.s32 s4;
	_ =	sdelay $0x1  }
0xa1: {  	s23 =	simm.s32 $0x1B8B  }
0xa2: {  	_ =	swait.ge [sflag:s23], $0x1  }
0xa3: {  	[sflag:s23] =	ssyncset.done $0x0  }
0xa4: {  	s25 =	simm.s32 $0x1B8E;
	s24 =	sld [smem:$0x3FFE];
	[sflag:s23] =	ssyncadd.s32 $0xFFFFFFFF  }
0xa5: {  	s26 =	simm.s32 $execute0_lowered;
	[smem:$0x3FD2] =	sst s25  }
0xa6: {  	s5 =	sshll.u32 s26, $0x1;
	_ =	strace $0x80000046;
	[dreg:$0x1] =	wrdreg $0xFFFFFFFF  }
0xa7: {  	s28 =	simm.s32 $_size_execute0_lowered;
	s3 =	sadd.s32 s3, s5;
	[dreg:$0x0] =	wrdreg $0x0  }
0xa8: {  	s5 =	sshll.u32 s28, $0x1;
	[dreg:$0x2] =	wrdreg s3  }
0xa9: {  	[dreg:$0x3] =	wrdreg s5  }
0xaa: {  	[dreg:$0x4] =	wrdreg $0xC0  }
0xab: {  	_ =	task [dreg:s7], $0x5FFFF  }
0xac: {  	[dreg:$0x1] =	wrdreg $0xFFFFFFFF  }
0xad: {  	[dreg:$0x0] =	wrdreg $0x60  }
0xae: {  	[dreg:$0x2] =	wrdreg s2  }
0xaf: {  	[dreg:$0x3] =	wrdreg s24  }
0xb0: {  	[dreg:$0x4] =	wrdreg $0x9  }
0xb1: {  	_ =	task.clear_ibuf [dreg:s7], $0x5FFFF;
	_ =	strace $0x90000046  }
0xb2: {  	s29 =	simm.s32 $0x9;
	_ =	strace $0x80000048  }
0xb3: {  	_ =	swait.ge [sflag:s29], $0x1  }
0xb4: {  	[sflag:s29] =	ssyncadd.s32 $0xFFFFFFFF  }
0xb5: {  	_ =	strace $0x90000048  }
0xb6: {  	_ =	sfence  }
0xb7: {  	s30 =	sld [smem:$0x0];
	_ =	sdelay $0x2  }
0xb8: {  	s31 =	sshll.u32 s1, $0xD;
	s1 =	sshrl.u32 s1, $0x2  }
0xb9: {  	s3 =	sand.u32 $0x4000, s31;
	s1 =	sadd.s32 s1, s30  }
0xba: {  	s0 =	sor.u32 s3, s0;
	s1 =	sshll.u32 s1, $0x11  }
0xbb: {  	s0 =	sor.u32 s1, s0  }
0xbc: {  	s0 =	sadd.s32 $0x8F2B, s0  }
0xbd: {  	[sflag:s0] =	ssyncadd.remote.s32 $0x1  }
0xbe: {  	_ =	sfence.sel $0xFFFF  }
0xbf: {  	[dreg:$0x0] =	wrdreg $0xFFFFFFFF;
	(pc) =	sbr.abs _section_cstart, $3  }
0xc0: {  	[dreg:$0x1] =	wrdreg $0xFFFFFFFF  }
0xc1: {  	_ =	task.clear_ibuf [dreg:s7], $0x2FFFF;
	_ =	strace $0x9FFFFFFF  }
0xc2: {  	(tm) =	ssettm $0x7FFFFFFF  }
0xc3: {  	_ =	shalt  }
tec
execute0_lowered:
.L_overlay_start_1:
0x0: {  	(tag) =	ssettag $0x1  }
0x1: {  	v0 =	vimm.f32 $0.0e+00  }
0x2: {  	v1 =	vimm.s32 $0x2380;
	vm10 =	vcmask $0x300;
	v2 =	vimm.s32 $0x8180  }
0x3: {  	vm11 =	vcmask $0x704;
	vm12 =	vcmask $0xB08;
	vm13 =	vcmask $0xF0C  }
0x4: {  	vm14 =	vcmask $0x1310;
	vm9 =	vcmask $0x1714;
	vm8 =	vcmask $0x1B18  }
0x5: {  	vm7 =	vcmask $0x1F1C;
	vm6 =	vcmask $0x2320;
	vm5 =	vcmask $0x2724  }
0x6: {  	vm4 =	vcmask $0x2B28;
	vm3 =	vcmask $0x2F2C;
	vm2 =	vcmask $0x3330  }
0x7: {  	vm1 =	vcmask $0x3734;
	vm0 =	vcmask $0x3B38;
	v4 =	vimm.s32 $0xC380  }
0x8: {  	v5 =	vimm.s32 $0x12180;
	v6 =	vimm.s32 $0x16180;
	v1 =	vsel vm10, $0x0, v1  }
0x9: {  	v2 =	vsel vm10, $0x4000, v2;
	v4 =	vsel vm10, $0x8200, v4;
	v5 =	vsel vm10, $0xE000, v5  }
0xa: {  	v6 =	vsel vm10, $0x12200, v6;
	v1 =	vsel vm11, $0x80, v1;
	v2 =	vsel vm11, $0x4080, v2  }
0xb: {  	v4 =	vsel vm11, $0x8280, v4;
	v5 =	vsel vm11, $0xE080, v5;
	v6 =	vsel vm11, $0x12280, v6  }
0xc: {  	v1 =	vsel vm12, $0x100, v1;
	v2 =	vsel vm12, $0x4100, v2;
	v4 =	vsel vm12, $0x8300, v4  }
0xd: {  	v5 =	vsel vm12, $0xE100, v5;
	v6 =	vsel vm12, $0x12300, v6;
	v1 =	vsel vm13, $0x180, v1  }
0xe: {  	v2 =	vsel vm13, $0x4180, v2;
	v4 =	vsel vm13, $0x8380, v4;
	v5 =	vsel vm13, $0xE180, v5  }
0xf: {  	v6 =	vsel vm13, $0x12380, v6;
	v1 =	vsel vm14, $0x200, v1;
	v2 =	vsel vm14, $0x6000, v2  }
0x10: {  	v4 =	vsel vm14, $0xA000, v4;
	v5 =	vsel vm14, $0xE200, v5;
	v6 =	vsel vm14, $0x14000, v6  }
0x11: {  	v1 =	vsel vm9, $0x280, v1;
	v2 =	vsel vm9, $0x6080, v2;
	v4 =	vsel vm9, $0xA080, v4  }
0x12: {  	v5 =	vsel vm9, $0xE280, v5;
	v6 =	vsel vm9, $0x14080, v6;
	v1 =	vsel vm8, $0x300, v1  }
0x13: {  	v2 =	vsel vm8, $0x6100, v2;
	v4 =	vsel vm8, $0xA100, v4;
	v5 =	vsel vm8, $0xE300, v5  }
0x14: {  	v6 =	vsel vm8, $0x14100, v6;
	v1 =	vsel vm7, $0x380, v1;
	v2 =	vsel vm7, $0x6180, v2  }
0x15: {  	v4 =	vsel vm7, $0xA180, v4;
	v5 =	vsel vm7, $0xE380, v5;
	v6 =	vsel vm7, $0x14180, v6  }
0x16: {  	v1 =	vsel vm6, $0x2000, v1;
	v2 =	vsel vm6, $0x6200, v2;
	v4 =	vsel vm6, $0xC000, v4  }
0x17: {  	v5 =	vsel vm6, $0x10000, v5;
	v6 =	vsel vm6, $0x14200, v6;
	v1 =	vsel vm5, $0x2080, v1  }
0x18: {  	s1 =	srdreg.scid;
	s3 =	rddreg [dreg:$0x0];
	v2 =	vsel vm5, $0x6280, v2;
	v4 =	vsel vm5, $0xC080, v4;
	v5 =	vsel vm5, $0x10080, v5  }
0x19: {  	s0 =	stileid.u32;
	s5 =	rddreg [dreg:$0x1];
	v6 =	vsel vm5, $0x14280, v6;
	v1 =	vsel vm4, $0x2100, v1;
	v2 =	vsel vm4, $0x6300, v2  }
0x1a: {  	s2 =	simm.s32 $0x0;
	s4 =	sand.u32 $0x1, s1;
	s1 =	rddreg [dreg:$0x2];
	v4 =	vsel vm4, $0xC100, v4;
	v5 =	vsel vm4, $0x10100, v5;
	v6 =	vsel vm4, $0x14300, v6  }
0x1b: {  	s29 =	sshll.u32 s0, $0x1;
	[smem:$0x7FF] =	sst s2;
	s10 =	smul.u32 $0xC0000, s0;
	v1 =	vsel vm3, $0x2180, v1;
	v2 =	vsel vm3, $0x6380, v2;
	v4 =	vsel vm3, $0xC180, v4  }
0x1c: {  	s5 =	sadd.s32 $0x400, s5;
	s6 =	sor.u32 s4, s29;
	s30 =	smul.u32 $0x60000, s4;
	v5 =	vsel vm3, $0x10180, v5;
	v6 =	vsel vm3, $0x14380, v6;
	v1 =	vsel vm2, $0x2200, v1  }
0x1d: {  	s8 =	ssub.s32 $0x2, s4;
	_ =	strace $0x80000047;
	s7 =	smul.u32 $0x140, s6;
	v2 =	vsel vm2, $0x8000, v2;
	v4 =	vsel vm2, $0xC200, v4;
	v5 =	vsel vm2, $0x12000, v5  }
0x1e: {  	s6 =	smul.u32 $0x60000, s6;
	s9 =	sshrl.u32 s8, $0x1;
	s31 =	sadd.s32 s10, s5;
	v6 =	vsel vm2, $0x16000, v6;
	v1 =	vsel vm1, $0x2280, v1;
	v3 =	vsel vm1, $0x8080, v2  }
0x1f: {  	s10 =	simm.s32 $0x0;
	s8 =	ssub.s32 s8, s9;
	s9 =	simm.s32 $0x1;
	v2 =	vimm.f32 $1.000000000e+00;
	v4 =	vsel vm1, $0xC280, v4;
	v5 =	vsel vm1, $0x12080, v5  }
0x20: {  	s3 =	sadd.s32 s3, s7;
	s4 =	sadd.s32 s5, s6;
	s5 =	smax.u32 s8, $0x1;
	v6 =	vsel vm1, $0x16080, v6;
	v1 =	vsel vm0, $0x2300, v1;
	v3 =	vsel vm0, $0x8100, v3  }
0x21: {  	s6 =	sadd.s32 s30, s31;
	s7 =	simm.s32 $0x2;
	s8 =	simm.s32 $0xA00;
	v4 =	vsel vm0, $0xC300, v4;
	v5 =	vsel vm0, $0x12100, v5;
	v6 =	vsel vm0, $0x16100, v6  }
.LBB2_1:
0x22: {  	[tilespmem:s2], [sflag:$0x2] =	stream.linear.gather [hbm4b:s3+s2], $0xA00, $0x38;
	[tilespmem:$0x18A00] =	vst v63  }
0x23: {  	_ =	swait.ge [sflag:s7], $0xA00  }
0x24: {  	s11 =	sand.u32 $0x70, s2;
	s12 =	sand.u32 $0x1C00, s2;
	[sflag:s7] =	ssyncset.done $0x0  }
0x25: {  	s11 =	sor.u32 s11, s12;
	[sflag:s7] =	ssyncadd.s32 $0xFFFFF600  }
0x26: {  	[tilespmem:s11+$0xA80] =	vst v0  }
0x27: {  	[tilespmem:s11+$0xB00] =	vst v0  }
0x28: {  	[tilespmem:s11+$0xB80] =	vst v0  }
0x29: {  	[tilespmem:s11+$0xC00] =	vst v0  }
0x2a: {  	[tilespmem:s11+$0xC80] =	vst v0  }
0x2b: {  	s14 =	sor.u32 s2, s2;
	s13 =	simm.s32 $0x0;
	s12 =	simm.s32 $0x10;
	[tilespmem:s11+$0xD00] =	vst v0  }
.LBB2_2:
0x2c: {  	p0 =	sne.s32 s12, $0x3D0;
	[tilespmem:s11+$0xA00] =	vst v0;
	s14 =	sor.u32 $0x380, s14  }
0x2d: {  	[tilespmem:s14+$0xA00] =	vst v0  }
0x2e: {  	[tilespmem:s11+$0x2A00] =	vst v0  }
0x2f: {  	[tilespmem:s11+$0x2A80] =	vst v0  }
0x30: {  	[tilespmem:s11+$0x2B00] =	vst v0  }
0x31: {  	[tilespmem:s11+$0x2B80] =	vst v0  }
0x32: {  	[tilespmem:s11+$0x2C00] =	vst v0  }
0x33: {  	[tilespmem:s11+$0x2C80] =	vst v0  }
0x34: {  	[tilespmem:s11+$0x2D00] =	vst v0  }
0x35: {  	[tilespmem:s11+$0x2D80] =	vst v0  }
0x36: {  	[tilespmem:s11+$0x4A00] =	vst v0  }
0x37: {  	[tilespmem:s11+$0x4A80] =	vst v0  }
0x38: {  	[tilespmem:s11+$0x4B00] =	vst v0  }
0x39: {  	[tilespmem:s11+$0x4B80] =	vst v0  }
0x3a: {  	[tilespmem:s11+$0x6A00] =	vst v0  }
0x3b: {  	[tilespmem:s11+$0x6A80] =	vst v0  }
0x3c: {  	[tilespmem:s11+$0x6B00] =	vst v0  }
0x3d: {  	[tilespmem:s11+$0x6B80] =	vst v0  }
0x3e: {  	[tilespmem:s11+$0x6C00] =	vst v0  }
0x3f: {  	[tilespmem:s11+$0x6C80] =	vst v0  }
0x40: {  	[tilespmem:s11+$0x6D00] =	vst v0  }
0x41: {  	[tilespmem:s11+$0x6D80] =	vst v0  }
0x42: {  	[tilespmem:s11+$0x8A00] =	vst v0  }
0x43: {  	[tilespmem:s11+$0x8A80] =	vst v0  }
0x44: {  	[tilespmem:s11+$0x8B00] =	vst v0  }
0x45: {  	[tilespmem:s11+$0x8B80] =	vst v0  }
0x46: {  	[tilespmem:s11+$0x8C00] =	vst v0  }
0x47: {  	[tilespmem:s11+$0x8C80] =	vst v0  }
0x48: {  	[tilespmem:s11+$0x8D00] =	vst v0  }
0x49: {  	[tilespmem:s11+$0x8D80] =	vst v0  }
0x4a: {  	[tilespmem:s11+$0xAA00] =	vst v0  }
0x4b: {  	[tilespmem:s11+$0xAA80] =	vst v0  }
0x4c: {  	[tilespmem:s11+$0xAB00] =	vst v0  }
0x4d: {  	[tilespmem:s11+$0xAB80] =	vst v0  }
0x4e: {  	[tilespmem:s11+$0xCA00] =	vst v0  }
0x4f: {  	[tilespmem:s11+$0xCA80] =	vst v0  }
0x50: {  	[tilespmem:s11+$0xCB00] =	vst v0  }
0x51: {  	[tilespmem:s11+$0xCB80] =	vst v0  }
0x52: {  	[tilespmem:s11+$0xCC00] =	vst v0  }
0x53: {  	[tilespmem:s11+$0xCC80] =	vst v0  }
0x54: {  	[tilespmem:s11+$0xCD00] =	vst v0  }
0x55: {  	[tilespmem:s11+$0xCD80] =	vst v0  }
0x56: {  	[tilespmem:s11+$0xEA00] =	vst v0  }
0x57: {  	[tilespmem:s11+$0xEA80] =	vst v0  }
0x58: {  	[tilespmem:s11+$0xEB00] =	vst v0  }
0x59: {  	[tilespmem:s11+$0xEB80] =	vst v0  }
0x5a: {  	[tilespmem:s11+$0xEC00] =	vst v0  }
0x5b: {  	[tilespmem:s11+$0xEC80] =	vst v0  }
0x5c: {  	[tilespmem:s11+$0xED00] =	vst v0  }
0x5d: {  	[tilespmem:s11+$0xED80] =	vst v0  }
0x5e: {  	[tilespmem:s11+$0x10A00] =	vst v0  }
0x5f: {  	[tilespmem:s11+$0x10A80] =	vst v0  }
0x60: {  	[tilespmem:s11+$0x10B00] =	vst v0  }
0x61: {  	[tilespmem:s11+$0x10B80] =	vst v0  }
0x62: {  	[tilespmem:s11+$0x12A00] =	vst v0  }
0x63: {  	[tilespmem:s11+$0x12A80] =	vst v0  }
0x64: {  	[tilespmem:s11+$0x12B00] =	vst v0  }
0x65: {  	[tilespmem:s11+$0x12B80] =	vst v0  }
0x66: {  	[tilespmem:s11+$0x12C00] =	vst v0  }
0x67: {  	[tilespmem:s11+$0x12C80] =	vst v0  }
0x68: {  	[tilespmem:s11+$0x12D00] =	vst v0  }
0x69: {  	[tilespmem:s11+$0x12D80] =	vst v0  }
0x6a: {  	[tilespmem:s11+$0x14A00] =	vst v0  }
0x6b: {  	[tilespmem:s11+$0x14A80] =	vst v0  }
0x6c: {  	[tilespmem:s11+$0x14B00] =	vst v0  }
0x6d: {  	[tilespmem:s11+$0x14B80] =	vst v0  }
0x6e: {  	[tilespmem:s11+$0x14C00] =	vst v0  }
0x6f: {  	[tilespmem:s11+$0x14C80] =	vst v0  }
0x70: {  	[tilespmem:s11+$0x14D00] =	vst v0  }
0x71: {  	[tilespmem:s11+$0x14D80] =	vst v0  }
0x72: {  	[tilespmem:s11+$0x16A00] =	vst v0  }
0x73: {  	s13 =	sadd.s32 $0x80, s13;
	[tilespmem:s11+$0x16A80] =	vst v0  }
0x74: {  	s14 =	sand.u32 $0x70, s12;
	s15 =	sand.u32 $0x1C00, s13;
	[tilespmem:s11+$0x16B00] =	vst v0  }
0x75: {  	[tilespmem:s11+$0x16B80] =	vst v0;
	s11 =	sor.u32 s14, s15  }
0x76: {  	[tilespmem:s11+$0xA80] =	vst v0  }
.Ltmp0:
0x77: {  	[tilespmem:s11+$0xB00] =	vst v0;
	(pc) =	sbr.rel @p0 .LBB2_2-.Ltmp0, $4  }
0x78: {  	[tilespmem:s11+$0xB80] =	vst v0  }
0x79: {  	[tilespmem:s11+$0xC00] =	vst v0  }
0x7a: {  	[tilespmem:s11+$0xC80] =	vst v0  }
0x7b: {  	s14 =	sor.u32 s13, s12;
	s12 =	sadd.s32 $0x10, s12;
	[tilespmem:s11+$0xD00] =	vst v0  }
0x7c: {  	[tilespmem:s11+$0xA00] =	vst v0;
	s12 =	sor.u32 $0x380, s14  }
0x7d: {  	[tilespmem:s12+$0xA00] =	vst v0  }
0x7e: {  	[tilespmem:s11+$0x2A00] =	vst v0  }
0x7f: {  	[tilespmem:s11+$0x2A80] =	vst v0  }
0x80: {  	[tilespmem:s11+$0x2B00] =	vst v0  }
0x81: {  	[tilespmem:s11+$0x2B80] =	vst v0  }
0x82: {  	[tilespmem:s11+$0x2C00] =	vst v0  }
0x83: {  	[tilespmem:s11+$0x2C80] =	vst v0  }
0x84: {  	[tilespmem:s11+$0x2D00] =	vst v0  }
0x85: {  	[tilespmem:s11+$0x2D80] =	vst v0  }
0x86: {  	[tilespmem:s11+$0x4A00] =	vst v0  }
0x87: {  	[tilespmem:s11+$0x4A80] =	vst v0  }
0x88: {  	[tilespmem:s11+$0x4B00] =	vst v0  }
0x89: {  	[tilespmem:s11+$0x4B80] =	vst v0  }
0x8a: {  	[tilespmem:s11+$0x6A00] =	vst v0  }
0x8b: {  	[tilespmem:s11+$0x6A80] =	vst v0  }
0x8c: {  	[tilespmem:s11+$0x6B00] =	vst v0  }
0x8d: {  	[tilespmem:s11+$0x6B80] =	vst v0  }
0x8e: {  	[tilespmem:s11+$0x6C00] =	vst v0  }
0x8f: {  	[tilespmem:s11+$0x6C80] =	vst v0  }
0x90: {  	[tilespmem:s11+$0x6D00] =	vst v0  }
0x91: {  	[tilespmem:s11+$0x6D80] =	vst v0  }
0x92: {  	[tilespmem:s11+$0x8A00] =	vst v0  }
0x93: {  	[tilespmem:s11+$0x8A80] =	vst v0  }
0x94: {  	[tilespmem:s11+$0x8B00] =	vst v0  }
0x95: {  	[tilespmem:s11+$0x8B80] =	vst v0  }
0x96: {  	[tilespmem:s11+$0x8C00] =	vst v0  }
0x97: {  	[tilespmem:s11+$0x8C80] =	vst v0  }
0x98: {  	[tilespmem:s11+$0x8D00] =	vst v0  }
0x99: {  	[tilespmem:s11+$0x8D80] =	vst v0  }
0x9a: {  	[tilespmem:s11+$0xAA00] =	vst v0  }
0x9b: {  	[tilespmem:s11+$0xAA80] =	vst v0  }
0x9c: {  	[tilespmem:s11+$0xAB00] =	vst v0  }
0x9d: {  	[tilespmem:s11+$0xAB80] =	vst v0  }
0x9e: {  	[tilespmem:s11+$0xCA00] =	vst v0  }
0x9f: {  	[tilespmem:s11+$0xCA80] =	vst v0  }
0xa0: {  	[tilespmem:s11+$0xCB00] =	vst v0  }
0xa1: {  	[tilespmem:s11+$0xCB80] =	vst v0  }
0xa2: {  	[tilespmem:s11+$0xCC00] =	vst v0  }
0xa3: {  	[tilespmem:s11+$0xCC80] =	vst v0  }
0xa4: {  	[tilespmem:s11+$0xCD00] =	vst v0  }
0xa5: {  	[tilespmem:s11+$0xCD80] =	vst v0  }
0xa6: {  	[tilespmem:s11+$0xEA00] =	vst v0  }
0xa7: {  	[tilespmem:s11+$0xEA80] =	vst v0  }
0xa8: {  	[tilespmem:s11+$0xEB00] =	vst v0  }
0xa9: {  	[tilespmem:s11+$0xEB80] =	vst v0  }
0xaa: {  	[tilespmem:s11+$0xEC00] =	vst v0  }
0xab: {  	[tilespmem:s11+$0xEC80] =	vst v0  }
0xac: {  	[tilespmem:s11+$0xED00] =	vst v0  }
0xad: {  	[tilespmem:s11+$0xED80] =	vst v0  }
0xae: {  	[tilespmem:s11+$0x10A00] =	vst v0  }
0xaf: {  	[tilespmem:s11+$0x10A80] =	vst v0  }
0xb0: {  	[tilespmem:s11+$0x10B00] =	vst v0  }
0xb1: {  	[tilespmem:s11+$0x10B80] =	vst v0  }
0xb2: {  	[tilespmem:s11+$0x12A00] =	vst v0  }
0xb3: {  	[tilespmem:s11+$0x12A80] =	vst v0  }
0xb4: {  	[tilespmem:s11+$0x12B00] =	vst v0  }
0xb5: {  	[tilespmem:s11+$0x12B80] =	vst v0  }
0xb6: {  	[tilespmem:s11+$0x12C00] =	vst v0  }
0xb7: {  	[tilespmem:s11+$0x12C80] =	vst v0  }
0xb8: {  	[tilespmem:s11+$0x12D00] =	vst v0  }
0xb9: {  	[tilespmem:s11+$0x12D80] =	vst v0  }
0xba: {  	[tilespmem:s11+$0x14A00] =	vst v0  }
0xbb: {  	[tilespmem:s11+$0x14A80] =	vst v0  }
0xbc: {  	[tilespmem:s11+$0x14B00] =	vst v0  }
0xbd: {  	[tilespmem:s11+$0x14B80] =	vst v0  }
0xbe: {  	[tilespmem:s11+$0x14C00] =	vst v0  }
0xbf: {  	[tilespmem:s11+$0x14C80] =	vst v0  }
0xc0: {  	[tilespmem:s11+$0x14D00] =	vst v0  }
0xc1: {  	[tilespmem:s11+$0x14D80] =	vst v0  }
0xc2: {  	[tilespmem:s11+$0x16A00] =	vst v0  }
0xc3: {  	[tilespmem:s11+$0x16A80] =	vst v0  }
0xc4: {  	[tilespmem:s11+$0x16B00] =	vst v0  }
0xc5: {  	[tilespmem:s11+$0x16B80] =	vst v0  }
0xc6: {  	[tilespmem:$0x2658] =	vst v0  }
0xc7: {  	[tilespmem:$0x26D8] =	vst v0  }
0xc8: {  	[tilespmem:$0x2758] =	vst v0  }
0xc9: {  	[tilespmem:$0x27D8] =	vst v0  }
0xca: {  	[tilespmem:$0x2858] =	vst v0  }
0xcb: {  	[tilespmem:$0x28D8] =	vst v0  }
0xcc: {  	[tilespmem:$0x2958] =	vst v0  }
0xcd: {  	[tilespmem:$0x29D8] =	vst v0  }
0xce: {  	[tilespmem:$0x4658] =	vst v0  }
0xcf: {  	[tilespmem:$0x46D8] =	vst v0  }
0xd0: {  	[tilespmem:$0x4758] =	vst v0  }
0xd1: {  	[tilespmem:$0x47D8] =	vst v0  }
0xd2: {  	[tilespmem:$0x4858] =	vst v0  }
0xd3: {  	[tilespmem:$0x48D8] =	vst v0  }
0xd4: {  	[tilespmem:$0x4958] =	vst v0  }
0xd5: {  	[tilespmem:$0x49D8] =	vst v0  }
0xd6: {  	[tilespmem:$0x6658] =	vst v0  }
0xd7: {  	[tilespmem:$0x66D8] =	vst v0  }
0xd8: {  	[tilespmem:$0x6758] =	vst v0  }
0xd9: {  	[tilespmem:$0x67D8] =	vst v0  }
0xda: {  	[tilespmem:$0x8658] =	vst v0  }
0xdb: {  	[tilespmem:$0x86D8] =	vst v0  }
0xdc: {  	[tilespmem:$0x8758] =	vst v0  }
0xdd: {  	[tilespmem:$0x87D8] =	vst v0  }
0xde: {  	[tilespmem:$0x8858] =	vst v0  }
0xdf: {  	[tilespmem:$0x88D8] =	vst v0  }
0xe0: {  	[tilespmem:$0x8958] =	vst v0  }
0xe1: {  	[tilespmem:$0x89D8] =	vst v0  }
0xe2: {  	[tilespmem:$0xA658] =	vst v0  }
0xe3: {  	[tilespmem:$0xA6D8] =	vst v0  }
0xe4: {  	[tilespmem:$0xA758] =	vst v0  }
0xe5: {  	[tilespmem:$0xA7D8] =	vst v0  }
0xe6: {  	[tilespmem:$0xA858] =	vst v0  }
0xe7: {  	[tilespmem:$0xA8D8] =	vst v0  }
0xe8: {  	[tilespmem:$0xA958] =	vst v0  }
0xe9: {  	[tilespmem:$0xA9D8] =	vst v0  }
0xea: {  	[tilespmem:$0xC658] =	vst v0  }
0xeb: {  	[tilespmem:$0xC6D8] =	vst v0  }
0xec: {  	[tilespmem:$0xC758] =	vst v0  }
0xed: {  	[tilespmem:$0xC7D8] =	vst v0  }
0xee: {  	[tilespmem:$0xE658] =	vst v0  }
0xef: {  	[tilespmem:$0xE6D8] =	vst v0  }
0xf0: {  	[tilespmem:$0xE758] =	vst v0  }
0xf1: {  	[tilespmem:$0xE7D8] =	vst v0  }
0xf2: {  	[tilespmem:$0xE858] =	vst v0  }
0xf3: {  	[tilespmem:$0xE8D8] =	vst v0  }
0xf4: {  	[tilespmem:$0xE958] =	vst v0  }
0xf5: {  	[tilespmem:$0xE9D8] =	vst v0  }
0xf6: {  	[tilespmem:$0x10658] =	vst v0  }
0xf7: {  	[tilespmem:$0x106D8] =	vst v0  }
0xf8: {  	[tilespmem:$0x10758] =	vst v0  }
0xf9: {  	[tilespmem:$0x107D8] =	vst v0  }
0xfa: {  	[tilespmem:$0x10858] =	vst v0  }
0xfb: {  	[tilespmem:$0x108D8] =	vst v0  }
0xfc: {  	[tilespmem:$0x10958] =	vst v0  }
0xfd: {  	[tilespmem:$0x109D8] =	vst v0  }
0xfe: {  	[tilespmem:$0x12658] =	vst v0  }
0xff: {  	[tilespmem:$0x126D8] =	vst v0  }
0x100: {  	[tilespmem:$0x12758] =	vst v0  }
0x101: {  	[tilespmem:$0x127D8] =	vst v0  }
0x102: {  	[tilespmem:$0x14658] =	vst v0  }
0x103: {  	[tilespmem:$0x146D8] =	vst v0  }
0x104: {  	[tilespmem:$0x14758] =	vst v0  }
0x105: {  	[tilespmem:$0x147D8] =	vst v0  }
0x106: {  	[tilespmem:$0x14858] =	vst v0  }
0x107: {  	[tilespmem:$0x148D8] =	vst v0  }
0x108: {  	[tilespmem:$0x14958] =	vst v0  }
0x109: {  	[tilespmem:$0x149D8] =	vst v0;
	v7 =	vld [tilespmem:$0x0]  }
0x10a: {  	[tilespmem:$0x16658] =	vst v0  }
0x10b: {  	[tilespmem:$0x166D8] =	vst v0  }
0x10c: {  	[tilespmem:$0x16758] =	vst v0  }
0x10d: {  	[tilespmem:$0x167D8] =	vst v0  }
0x10e: {  	[tilespmem:$0x16858] =	vst v0;
	v8 =	vshll.u32 v7, $0x3  }
0x10f: {  	[tilespmem:$0x168D8] =	vst v0;
	v7 =	vand.u32 $0x7F, v7;
	v8 =	vand.u32 $0xFFFFFC00, v8  }
0x110: {  	[tilespmem:$0x16958] =	vst v0;
	v7 =	vor.u32 v7, v8  }
0x111: {  	[tilespmem:$0x169D8] =	vst v0;
	v7 =	vadd.s32 v1, v7  }
0x112: {  	[tilespmem:$0x18658] =	vst v0  }
0x113: {  	[tilespmem:$0x186D8] =	vst v0  }
0x114: {  	[tilespmem:$0x18758] =	vst v0  }
0x115: {  	[tilespmem:$0x187D8] =	vst v0  }
0x116: {  	[tilespmem:v7+s8+$0x0] =	vst.idx.msk $0xffff, v2  }
0x117: {  	v7 =	vld [tilespmem:$0x10];
	_ =	sdelay $0x4  }
0x118: {  	v8 =	vshll.u32 v7, $0x3  }
0x119: {  	v7 =	vand.u32 $0x7F, v7;
	v8 =	vand.u32 $0xFFFFFC00, v8  }
0x11a: {  	v7 =	vor.u32 v7, v8  }
0x11b: {  	v7 =	vadd.s32 v3, v7;
	_ =	sdelay $0x4  }
0x11c: {  	[tilespmem:v7+s8+$0x0] =	vst.idx.msk $0xffff, v2  }
0x11d: {  	v7 =	vld [tilespmem:$0x20];
	_ =	sdelay $0x4  }
0x11e: {  	v8 =	vshll.u32 v7, $0x3  }
0x11f: {  	v7 =	vand.u32 $0x7F, v7;
	v8 =	vand.u32 $0xFFFFFC00, v8  }
0x120: {  	v7 =	vor.u32 v7, v8  }
0x121: {  	v7 =	vadd.s32 v4, v7;
	_ =	sdelay $0x4  }
0x122: {  	[tilespmem:v7+s8+$0x0] =	vst.idx.msk $0xffff, v2  }
0x123: {  	v7 =	vld [tilespmem:$0x30];
	_ =	sdelay $0x4  }
0x124: {  	v8 =	vshll.u32 v7, $0x3  }
0x125: {  	v7 =	vand.u32 $0x7F, v7;
	v8 =	vand.u32 $0xFFFFFC00, v8  }
0x126: {  	v7 =	vor.u32 v7, v8  }
0x127: {  	v7 =	vadd.s32 v5, v7;
	_ =	sdelay $0x4  }
0x128: {  	[tilespmem:v7+s8+$0x0] =	vst.idx.msk $0xffff, v2  }
0x129: {  	v7 =	vld [tilespmem:$0x40];
	_ =	sdelay $0x4  }
0x12a: {  	v8 =	vshll.u32 v7, $0x3  }
0x12b: {  	v7 =	vand.u32 $0x7F, v7;
	v8 =	vand.u32 $0xFFFFFC00, v8  }
0x12c: {  	v7 =	vor.u32 v7, v8  }
0x12d: {  	v7 =	vadd.s32 v6, v7;
	_ =	sdelay $0x4  }
0x12e: {  	s12 =	simm.s32 $0x50;
	s11 =	simm.s32 $0x3000;
	[tilespmem:v7+s8+$0x0] =	vst.idx.msk $0xffff, v2  }
0x12f: {  	[hbm4b:s4+s2] =	stream.linear.scatter [tilespmem:s8], [sflag:$0x1], $0x18000, $0x38;
	[tilespmem:$0x18A00] =	vst v63  }
.LBB2_4:
0x130: {  	_ =	swait.ge [sflag:s9], $0x18000  }
0x131: {  	[sflag:s9] =	ssyncset.done $0x0  }
0x132: {  	[sflag:s9] =	ssyncadd.s32 $0xFFFE8000  }
0x133: {  	v7 =	vld [tilespmem:s12+$0xFFFFFFB0];
	_ =	sdelay $0x4  }
0x134: {  	v8 =	vshll.u32 v7, $0x3  }
0x135: {  	v7 =	vand.u32 $0x7F, v7;
	v8 =	vand.u32 $0xFFFFFC00, v8  }
0x136: {  	v7 =	vor.u32 v7, v8  }
0x137: {  	v7 =	vadd.s32 v1, v7;
	_ =	sdelay $0x4  }
0x138: {  	[tilespmem:v7+s8+$0x0] =	vst.idx.msk $0xffff, v0  }
0x139: {  	v7 =	vld [tilespmem:s12+$0xFFFFFFC0];
	_ =	sdelay $0x4  }
0x13a: {  	v8 =	vshll.u32 v7, $0x3  }
0x13b: {  	v7 =	vand.u32 $0x7F, v7;
	v8 =	vand.u32 $0xFFFFFC00, v8  }
0x13c: {  	v7 =	vor.u32 v7, v8  }
0x13d: {  	v7 =	vadd.s32 v3, v7;
	_ =	sdelay $0x4  }
0x13e: {  	[tilespmem:v7+s8+$0x0] =	vst.idx.msk $0xffff, v0  }
0x13f: {  	v7 =	vld [tilespmem:s12+$0xFFFFFFD0];
	_ =	sdelay $0x4  }
0x140: {  	v8 =	vshll.u32 v7, $0x3  }
0x141: {  	v7 =	vand.u32 $0x7F, v7;
	v8 =	vand.u32 $0xFFFFFC00, v8  }
0x142: {  	v7 =	vor.u32 v7, v8  }
0x143: {  	v7 =	vadd.s32 v4, v7;
	_ =	sdelay $0x4  }
0x144: {  	[tilespmem:v7+s8+$0x0] =	vst.idx.msk $0xffff, v0  }
0x145: {  	v7 =	vld [tilespmem:s12+$0xFFFFFFE0];
	_ =	sdelay $0x4  }
0x146: {  	v8 =	vshll.u32 v7, $0x3  }
0x147: {  	v7 =	vand.u32 $0x7F, v7;
	v8 =	vand.u32 $0xFFFFFC00, v8  }
0x148: {  	v7 =	vor.u32 v7, v8  }
0x149: {  	v7 =	vadd.s32 v5, v7;
	_ =	sdelay $0x4  }
0x14a: {  	[tilespmem:v7+s8+$0x0] =	vst.idx.msk $0xffff, v0  }
0x14b: {  	v7 =	vld [tilespmem:s12+$0xFFFFFFF0];
	_ =	sdelay $0x4  }
0x14c: {  	v8 =	vshll.u32 v7, $0x3  }
0x14d: {  	v7 =	vand.u32 $0x7F, v7;
	v8 =	vand.u32 $0xFFFFFC00, v8  }
0x14e: {  	v7 =	vor.u32 v7, v8  }
0x14f: {  	v7 =	vadd.s32 v6, v7;
	_ =	sdelay $0x4  }
0x150: {  	[tilespmem:v7+s8+$0x0] =	vst.idx.msk $0xffff, v0  }
0x151: {  	v7 =	vld [tilespmem:s12+$0x0];
	_ =	sdelay $0x4  }
0x152: {  	v8 =	vshll.u32 v7, $0x3  }
0x153: {  	v7 =	vand.u32 $0x7F, v7;
	v8 =	vand.u32 $0xFFFFFC00, v8  }
0x154: {  	v7 =	vor.u32 v7, v8  }
0x155: {  	v7 =	vadd.s32 v1, v7;
	_ =	sdelay $0x4  }
0x156: {  	[tilespmem:v7+s8+$0x0] =	vst.idx.msk $0xffff, v2  }
0x157: {  	v7 =	vld [tilespmem:s12+$0x10];
	_ =	sdelay $0x4  }
0x158: {  	v8 =	vshll.u32 v7, $0x3  }
0x159: {  	v7 =	vand.u32 $0x7F, v7;
	v8 =	vand.u32 $0xFFFFFC00, v8  }
0x15a: {  	v7 =	vor.u32 v7, v8  }
0x15b: {  	v7 =	vadd.s32 v3, v7;
	_ =	sdelay $0x4  }
0x15c: {  	[tilespmem:v7+s8+$0x0] =	vst.idx.msk $0xffff, v2  }
0x15d: {  	v7 =	vld [tilespmem:s12+$0x20];
	_ =	sdelay $0x4  }
0x15e: {  	v8 =	vshll.u32 v7, $0x3  }
0x15f: {  	v7 =	vand.u32 $0x7F, v7;
	v8 =	vand.u32 $0xFFFFFC00, v8  }
0x160: {  	v7 =	vor.u32 v7, v8  }
0x161: {  	v7 =	vadd.s32 v4, v7;
	_ =	sdelay $0x4  }
0x162: {  	[tilespmem:v7+s8+$0x0] =	vst.idx.msk $0xffff, v2  }
0x163: {  	v7 =	vld [tilespmem:s12+$0x30];
	_ =	sdelay $0x4  }
0x164: {  	v8 =	vshll.u32 v7, $0x3  }
0x165: {  	v7 =	vand.u32 $0x7F, v7;
	v8 =	vand.u32 $0xFFFFFC00, v8  }
0x166: {  	v7 =	vor.u32 v7, v8  }
0x167: {  	v7 =	vadd.s32 v5, v7;
	_ =	sdelay $0x4  }
0x168: {  	[tilespmem:v7+s8+$0x0] =	vst.idx.msk $0xffff, v2  }
0x169: {  	v7 =	vld [tilespmem:s12+$0x40];
	_ =	sdelay $0x4  }
0x16a: {  	v8 =	vshll.u32 v7, $0x3  }
0x16b: {  	v7 =	vand.u32 $0x7F, v7;
	v8 =	vand.u32 $0xFFFFFC00, v8  }
0x16c: {  	v7 =	vor.u32 v7, v8  }
0x16d: {  	v7 =	vadd.s32 v6, v7  }
0x16e: {  	p0 =	sne.s32 s11, $0x5D000  }
.Ltmp1:
0x16f: {  	_ = 	snop;
	(pc) =	sbr.rel @p0 .LBB2_4-.Ltmp1, $3  }
0x170: {  	_ =	sdelay $0x1  }
0x171: {  	s13 =	sadd.s32 s11, s6;
	s11 =	sadd.s32 $0x3000, s11;
	s12 =	sadd.s32 $0x50, s12;
	[tilespmem:v7+s8+$0x0] =	vst.idx.msk $0xffff, v2  }
0x172: {  	[hbm4b:s13+s2] =	stream.linear.scatter [tilespmem:s8], [sflag:$0x1], $0x18000, $0x38;
	[tilespmem:$0x18A00] =	vst v63  }
0x173: {  	s10 =	sadd.s32 $0x1, s10  }
0x174: {  	p0 =	sne.s32 s10, s5  }
.Ltmp2:
0x175: {  	_ = 	snop;
	(pc) =	sbr.rel @p0 .LBB2_1-.Ltmp2, $4  }
0x176: {  	_ = 	snop  }
0x177: {  	_ =	swait.ge [sflag:s9], $0x18000  }
0x178: {  	[sflag:s9] =	ssyncset.done $0x0  }
0x179: {  	[sflag:s9] =	ssyncadd.s32 $0xFFFE8000  }
0x17a: {  	_ =	sfence.sel $0x180000  }
0x17b: {  	[bflag:$0x0] =	sbarrier.arrive $0xFFFF  }
0x17c: {  	p0 =	sne.s32 s0, $0x0;
	_ =	strace $0x90000047  }
0x17d: {  	s0 =	sadd.s32 @!p0 $0x100000, s1;
	[bflag:$0x2] =	sbarrier.arrive $0xFFFF  }
0x17e: {  	[sflag:s0] =	ssyncadd.tile.s32 @!p0 $0x1;
	_ =	shalt  }
.Lfunc_end2:
_tile_overlayer_lowered:
.L_overlay_start_2:
0x17f: {  	(tag) =	ssettag $0x2  }
0x180: {  	s0 =	rddreg [dreg:$0x0];
	s2 =	stileid.u32  }
0x181: {  	s1 =	rddreg [dreg:$0x1];
	p0 =	sne.s32 s2, $0x0  }
0x182: {  	s3 =	rddreg [dreg:$0x2];
	[bflag:$0x3] =	sbarrier.arrive $0xFFFF;
	s2 =	simm.s32 @!p0 $0x1C02  }
0x183: {  	[timem:s3], [sflag:s2] =	dma.local @!p0 [hbm:s0], s1  }
0x184: {  	s0 =	simm.s32 @!p0 $0x2  }
0x185: {  	_ =	swait.ge @!p0 [sflag:s0], s1  }
0x186: {  	s1 =	ssub.s32 @!p0 $0x0, s1;
	[sflag:s0] =	ssyncset.done @!p0 $0x0  }
0x187: {  	[sflag:s0] =	ssyncadd.s32 @!p0 s1  }
0x188: {  	[bflag:$0x3] =	sbarrier.arrive $0xFFFF  }
0x189: {  	_ =	shalt  }

</sc_bundles>
